<compile_context>
chip_gen: v7x
topology: tpu7x:2x2x1
jax: 0.10.2.dev20260603
libtpu: 0.0.44.dev20260713+nightly
codegen_flags: <defaults>
</compile_context>

<pallas_src>
import functools

import jax
import jax.numpy as jnp
from jax import lax
from jax.experimental import pallas as pl
from jax.experimental.pallas import tpu as pltpu
from jax.experimental.pallas import tpu_sc as plsc

D = 64
DPAD = 128
SCALE = 8.0
NC = 2
NS = 16
NW = NC * NS
SEQ = 50
NTOK = 4096
ROWS_PER_W = NTOK // NW
RB = 1
CHUNK = RB * SEQ
NCHUNK = ROWS_PER_W // RB
NBUF = 8

_mesh = plsc.VectorSubcoreMesh(core_axis_name="c", subcore_axis_name="s")


@functools.partial(
    pl.kernel,
    mesh=_mesh,
    out_type=jax.ShapeDtypeStruct((NTOK, SEQ, D), jnp.float32),
    scratch_types=[
        pltpu.VMEM((NCHUNK, CHUNK), jnp.int32),
        pltpu.VMEM((NBUF, CHUNK, DPAD), jnp.float32),
        pltpu.VMEM((NBUF, RB, SEQ, D), jnp.float32),
        pltpu.SemaphoreType.DMA((NBUF,)),
        pltpu.SemaphoreType.DMA((NBUF,)),
    ],
    compiler_params=pltpu.CompilerParams(use_tc_tiling_on_sc=True),
)
def _emb_lookup(x_hbm, table_hbm, out_hbm, idx_v, rows_v, outs_v, gsem, ssem):
    wid = lax.axis_index("s") * NC + lax.axis_index("c")
    base = wid * ROWS_PER_W
    pltpu.sync_copy(x_hbm.at[wid], idx_v)

    def gather_start(j, b):
        pltpu.async_copy(table_hbm.at[idx_v.at[j]], rows_v.at[b], gsem.at[b])

    def gather_wait(j, b):
        pltpu.make_async_copy(
            table_hbm.at[idx_v.at[j]], rows_v.at[b], gsem.at[b]
        ).wait()

    def store_start(j, b):
        pltpu.async_copy(
            outs_v.at[b], out_hbm.at[pl.ds(base + j * RB, RB)], ssem.at[b]
        )

    def store_wait(j, b):
        pltpu.make_async_copy(
            outs_v.at[b], out_hbm.at[pl.ds(base + j * RB, RB)], ssem.at[b]
        ).wait()

    for b in range(NBUF):
        gather_start(b, b)

    def chunk_body(j, carry):
        b = lax.rem(j, NBUF)
        gather_wait(j, b)

        @pl.when(j >= NBUF)
        def _():
            store_wait(j - NBUF, b)

        for db in range(RB):

            @plsc.parallel_loop(0, SEQ, unroll=5)
            def _(s):
                for c in range(D // 16):
                    sl = pl.ds(c * 16, 16)
                    outs_v[b, db, s, sl] = rows_v[b, db * SEQ + s, sl] * SCALE

        @pl.when(j + NBUF < NCHUNK)
        def _():
            gather_start(j + NBUF, b)

        store_start(j, b)
        return carry

    lax.fori_loop(0, NCHUNK, chunk_body, 0)

    for k in range(NBUF):
        j = NCHUNK - NBUF + k
        store_wait(j, j % NBUF)


def kernel(x, table):
    xr = x.reshape(NW, NCHUNK, CHUNK)
    tpad = jnp.pad(table, ((0, 0), (0, DPAD - D)))
    return _emb_lookup(xr, tpad)

# --- scband reference (transcript-rebuilt; emitter-appended) ---
"""Pipeline reference for scband-embedding-43791486550307 (READ-ONLY COPY).

The authoritative reference and input builder live on the scoring server;
editing this copy changes nothing except your own understanding.
"""

import jax, jax.numpy as jnp
import numpy as np

D_MODEL = 64
VOCAB = 1000000


def setup_inputs(seed: int = 0) -> dict:
    key = jax.random.key(seed)
    k1, k2 = jax.random.split(key)
    x = jax.random.randint(k1, (4096, 50), 0, VOCAB, dtype=jnp.int32)
    # nn.Embedding default init: N(0, 1)
    table = jax.random.normal(k2, (VOCAB, D_MODEL), dtype=jnp.float32)
    return {"x": x, "table": table}


def reference(x, table):
    # forward: embedding lookup scaled by sqrt(d_model)
    emb = jnp.take(table, x, axis=0)
    return emb * (D_MODEL ** 0.5)

if __name__ == "__main__":
    import jax
    _d = setup_inputs()
    print(jax.jit(kernel)(*tuple(_d.values())))

</pallas_src>

<mosaic_0001>
#map = affine_map<(d0, d1) -> (0, 0, 0)>
#map1 = affine_map<(d0, d1) -> (0, 0)>
module attributes {stable_mosaic.version = 14 : i64} {
  func.func @_emb_lookup(%arg0: i32, %arg1: i32, %arg2: memref<32x128x50xi32, #tpu.memory_space<hbm>>, %arg3: memref<1000000x128xf32, #tpu.memory_space<hbm>>, %arg4: memref<4096x50x64xf32, #tpu.memory_space<hbm>>, %arg5: memref<128x50xi32, #tpu.memory_space<vmem>>, %arg6: memref<8x50x128xf32, #tpu.memory_space<vmem>>, %arg7: memref<8x1x50x64xf32, #tpu.memory_space<vmem>>, %arg8: memref<8x!tpu.dma_semaphore, #tpu.memory_space<semaphore_mem>>, %arg9: memref<8x!tpu.dma_semaphore, #tpu.memory_space<semaphore_mem>>) attributes {dimension_semantics = [#tpu.dimension_semantics<core_parallel>, #tpu.dimension_semantics<subcore_parallel>], iteration_bounds = array<i64: 2, 16>, scalar_prefetch = 0 : i64, scratch_operands = 5 : i64, tpu.core_type = #tpu.core_type<sc_vector_subcore>, window_params = [{transform_indices = #map}, {transform_indices = #map1}, {transform_indices = #map}]} {
    %mul3A = arith.constant 2 : i32
    %mul3A_0 = arith.muli %arg1, %mul3A : i32
    %add3A = arith.addi %mul3A_0, %arg0 : i32
    %mul3A_1 = arith.constant 128 : i32
    %mul3A_2 = arith.muli %add3A, %mul3A_1 : i32
    "tpu.region"() ({
      %run_scoped3A = tpu.sem_alloc : memref<!tpu.dma_semaphore, #tpu.memory_space<semaphore_mem>>
      %dma_start3A_302 = arith.constant 0 : i32
      %dma_start3A_303 = arith.constant 0 : i32
      %dma_start3A_304 = tpu.memref_slice %arg2[%add3A, %dma_start3A_302, %dma_start3A_303] : memref<32x128x50xi32, #tpu.memory_space<hbm>> -> memref<1x128x50xi32, #tpu.memory_space<hbm>>
      %dma_start3A_305 = tpu.memref_squeeze %dma_start3A_304 : memref<1x128x50xi32, #tpu.memory_space<hbm>> -> memref<128x50xi32, #tpu.memory_space<hbm>>
      %dma_start3A_306 = arith.constant 0 : i32
      %dma_start3A_307 = arith.constant 0 : i32
      %dma_start3A_308 = tpu.memref_slice %arg2[%add3A, %dma_start3A_306, %dma_start3A_307] : memref<32x128x50xi32, #tpu.memory_space<hbm>> -> memref<1x128x50xi32, #tpu.memory_space<hbm>>
      %dma_start3A_309 = tpu.memref_squeeze %dma_start3A_308 : memref<1x128x50xi32, #tpu.memory_space<hbm>> -> memref<128x50xi32, #tpu.memory_space<hbm>>
      tpu.enqueue_dma source(%dma_start3A_309 : memref<128x50xi32, #tpu.memory_space<hbm>>) target(%arg5 : memref<128x50xi32, #tpu.memory_space<vmem>>) target_semaphore(%run_scoped3A : memref<!tpu.dma_semaphore, #tpu.memory_space<semaphore_mem>>)
      %dma_wait3A_310 = arith.constant 0 : i32
      %dma_wait3A_311 = arith.constant 0 : i32
      %dma_wait3A_312 = tpu.memref_slice %arg2[%add3A, %dma_wait3A_310, %dma_wait3A_311] : memref<32x128x50xi32, #tpu.memory_space<hbm>> -> memref<1x128x50xi32, #tpu.memory_space<hbm>>
      %dma_wait3A_313 = tpu.memref_squeeze %dma_wait3A_312 : memref<1x128x50xi32, #tpu.memory_space<hbm>> -> memref<128x50xi32, #tpu.memory_space<hbm>>
      %dma_wait3A_314 = arith.constant 0 : i32
      %dma_wait3A_315 = arith.constant 0 : i32
      %dma_wait3A_316 = tpu.memref_slice %arg2[%add3A, %dma_wait3A_314, %dma_wait3A_315] : memref<32x128x50xi32, #tpu.memory_space<hbm>> -> memref<1x128x50xi32, #tpu.memory_space<hbm>>
      %dma_wait3A_317 = tpu.memref_squeeze %dma_wait3A_316 : memref<1x128x50xi32, #tpu.memory_space<hbm>> -> memref<128x50xi32, #tpu.memory_space<hbm>>
      tpu.wait_dma2 semaphore(%run_scoped3A : memref<!tpu.dma_semaphore, #tpu.memory_space<semaphore_mem>>) src(%dma_wait3A_317 : memref<128x50xi32, #tpu.memory_space<hbm>>) dst(%arg5 : memref<128x50xi32, #tpu.memory_space<vmem>>)
      tpu.yield
    }) : () -> ()
    %dma_start3A = arith.constant 0 : i32
    %dma_start3A_3 = arith.constant 0 : i32
    %dma_start3A_4 = arith.constant 0 : i32
    %dma_start3A_5 = arith.constant 0 : i32
    %dma_start3A_6 = arith.constant 0 : i32
    %dma_start3A_7 = tpu.memref_slice %arg6[%dma_start3A_3, %dma_start3A_5, %dma_start3A_6] : memref<8x50x128xf32, #tpu.memory_space<vmem>> -> memref<1x50x128xf32, #tpu.memory_space<vmem>>
    %dma_start3A_8 = tpu.memref_squeeze %dma_start3A_7 : memref<1x50x128xf32, #tpu.memory_space<vmem>> -> memref<50x128xf32, #tpu.memory_space<vmem>>
    %dma_start3A_9 = arith.constant 0 : i32
    %dma_start3A_10 = tpu.memref_slice %arg5[%dma_start3A, %dma_start3A_9] : memref<128x50xi32, #tpu.memory_space<vmem>> -> memref<1x50xi32, #tpu.memory_space<vmem>>
    %dma_start3A_11 = tpu.memref_squeeze %dma_start3A_10 : memref<1x50xi32, #tpu.memory_space<vmem>> -> memref<50xi32, #tpu.memory_space<vmem>>
    %dma_start3A_12 = arith.constant 0 : i32
    %dma_start3A_13 = arith.constant 0 : i32
    %dma_start3A_14 = tpu.memref_slice %arg3[%dma_start3A_12, %dma_start3A_13] : memref<1000000x128xf32, #tpu.memory_space<hbm>> -> memref<1000000x128xf32, #tpu.memory_space<hbm>>
    %dma_start3A_15 = tpu.memref_slice %arg8[%dma_start3A_4] : memref<8x!tpu.dma_semaphore, #tpu.memory_space<semaphore_mem>> -> memref<1x!tpu.dma_semaphore, #tpu.memory_space<semaphore_mem>>
    %dma_start3A_16 = tpu.memref_squeeze %dma_start3A_15 : memref<1x!tpu.dma_semaphore, #tpu.memory_space<semaphore_mem>> -> memref<!tpu.dma_semaphore, #tpu.memory_space<semaphore_mem>>
    tpu.enqueue_indirect_dma source(%dma_start3A_14 : memref<1000000x128xf32, #tpu.memory_space<hbm>>) target(%dma_start3A_8 : memref<50x128xf32, #tpu.memory_space<vmem>>) offsets(%dma_start3A_11 : memref<50xi32, #tpu.memory_space<vmem>>) semaphore(%dma_start3A_16 : memref<!tpu.dma_semaphore, #tpu.memory_space<semaphore_mem>>)
    %dma_start3A_17 = arith.constant 1 : i32
    %dma_start3A_18 = arith.constant 1 : i32
    %dma_start3A_19 = arith.constant 1 : i32
    %dma_start3A_20 = arith.constant 0 : i32
    %dma_start3A_21 = arith.constant 0 : i32
    %dma_start3A_22 = tpu.memref_slice %arg6[%dma_start3A_18, %dma_start3A_20, %dma_start3A_21] : memref<8x50x128xf32, #tpu.memory_space<vmem>> -> memref<1x50x128xf32, #tpu.memory_space<vmem>>
    %dma_start3A_23 = tpu.memref_squeeze %dma_start3A_22 : memref<1x50x128xf32, #tpu.memory_space<vmem>> -> memref<50x128xf32, #tpu.memory_space<vmem>>
    %dma_start3A_24 = arith.constant 0 : i32
    %dma_start3A_25 = tpu.memref_slice %arg5[%dma_start3A_17, %dma_start3A_24] : memref<128x50xi32, #tpu.memory_space<vmem>> -> memref<1x50xi32, #tpu.memory_space<vmem>>
    %dma_start3A_26 = tpu.memref_squeeze %dma_start3A_25 : memref<1x50xi32, #tpu.memory_space<vmem>> -> memref<50xi32, #tpu.memory_space<vmem>>
    %dma_start3A_27 = arith.constant 0 : i32
    %dma_start3A_28 = arith.constant 0 : i32
    %dma_start3A_29 = tpu.memref_slice %arg3[%dma_start3A_27, %dma_start3A_28] : memref<1000000x128xf32, #tpu.memory_space<hbm>> -> memref<1000000x128xf32, #tpu.memory_space<hbm>>
    %dma_start3A_30 = tpu.memref_slice %arg8[%dma_start3A_19] : memref<8x!tpu.dma_semaphore, #tpu.memory_space<semaphore_mem>> -> memref<1x!tpu.dma_semaphore, #tpu.memory_space<semaphore_mem>>
    %dma_start3A_31 = tpu.memref_squeeze %dma_start3A_30 : memref<1x!tpu.dma_semaphore, #tpu.memory_space<semaphore_mem>> -> memref<!tpu.dma_semaphore, #tpu.memory_space<semaphore_mem>>
    tpu.enqueue_indirect_dma source(%dma_start3A_29 : memref<1000000x128xf32, #tpu.memory_space<hbm>>) target(%dma_start3A_23 : memref<50x128xf32, #tpu.memory_space<vmem>>) offsets(%dma_start3A_26 : memref<50xi32, #tpu.memory_space<vmem>>) semaphore(%dma_start3A_31 : memref<!tpu.dma_semaphore, #tpu.memory_space<semaphore_mem>>)
    %dma_start3A_32 = arith.constant 2 : i32
    %dma_start3A_33 = arith.constant 2 : i32
    %dma_start3A_34 = arith.constant 2 : i32
    %dma_start3A_35 = arith.constant 0 : i32
    %dma_start3A_36 = arith.constant 0 : i32
    %dma_start3A_37 = tpu.memref_slice %arg6[%dma_start3A_33, %dma_start3A_35, %dma_start3A_36] : memref<8x50x128xf32, #tpu.memory_space<vmem>> -> memref<1x50x128xf32, #tpu.memory_space<vmem>>
    %dma_start3A_38 = tpu.memref_squeeze %dma_start3A_37 : memref<1x50x128xf32, #tpu.memory_space<vmem>> -> memref<50x128xf32, #tpu.memory_space<vmem>>
    %dma_start3A_39 = arith.constant 0 : i32
    %dma_start3A_40 = tpu.memref_slice %arg5[%dma_start3A_32, %dma_start3A_39] : memref<128x50xi32, #tpu.memory_space<vmem>> -> memref<1x50xi32, #tpu.memory_space<vmem>>
    %dma_start3A_41 = tpu.memref_squeeze %dma_start3A_40 : memref<1x50xi32, #tpu.memory_space<vmem>> -> memref<50xi32, #tpu.memory_space<vmem>>
    %dma_start3A_42 = arith.constant 0 : i32
    %dma_start3A_43 = arith.constant 0 : i32
    %dma_start3A_44 = tpu.memref_slice %arg3[%dma_start3A_42, %dma_start3A_43] : memref<1000000x128xf32, #tpu.memory_space<hbm>> -> memref<1000000x128xf32, #tpu.memory_space<hbm>>
    %dma_start3A_45 = tpu.memref_slice %arg8[%dma_start3A_34] : memref<8x!tpu.dma_semaphore, #tpu.memory_space<semaphore_mem>> -> memref<1x!tpu.dma_semaphore, #tpu.memory_space<semaphore_mem>>
    %dma_start3A_46 = tpu.memref_squeeze %dma_start3A_45 : memref<1x!tpu.dma_semaphore, #tpu.memory_space<semaphore_mem>> -> memref<!tpu.dma_semaphore, #tpu.memory_space<semaphore_mem>>
    tpu.enqueue_indirect_dma source(%dma_start3A_44 : memref<1000000x128xf32, #tpu.memory_space<hbm>>) target(%dma_start3A_38 : memref<50x128xf32, #tpu.memory_space<vmem>>) offsets(%dma_start3A_41 : memref<50xi32, #tpu.memory_space<vmem>>) semaphore(%dma_start3A_46 : memref<!tpu.dma_semaphore, #tpu.memory_space<semaphore_mem>>)
    %dma_start3A_47 = arith.constant 3 : i32
    %dma_start3A_48 = arith.constant 3 : i32
    %dma_start3A_49 = arith.constant 3 : i32
    %dma_start3A_50 = arith.constant 0 : i32
    %dma_start3A_51 = arith.constant 0 : i32
    %dma_start3A_52 = tpu.memref_slice %arg6[%dma_start3A_48, %dma_start3A_50, %dma_start3A_51] : memref<8x50x128xf32, #tpu.memory_space<vmem>> -> memref<1x50x128xf32, #tpu.memory_space<vmem>>
    %dma_start3A_53 = tpu.memref_squeeze %dma_start3A_52 : memref<1x50x128xf32, #tpu.memory_space<vmem>> -> memref<50x128xf32, #tpu.memory_space<vmem>>
    %dma_start3A_54 = arith.constant 0 : i32
    %dma_start3A_55 = tpu.memref_slice %arg5[%dma_start3A_47, %dma_start3A_54] : memref<128x50xi32, #tpu.memory_space<vmem>> -> memref<1x50xi32, #tpu.memory_space<vmem>>
    %dma_start3A_56 = tpu.memref_squeeze %dma_start3A_55 : memref<1x50xi32, #tpu.memory_space<vmem>> -> memref<50xi32, #tpu.memory_space<vmem>>
    %dma_start3A_57 = arith.constant 0 : i32
    %dma_start3A_58 = arith.constant 0 : i32
    %dma_start3A_59 = tpu.memref_slice %arg3[%dma_start3A_57, %dma_start3A_58] : memref<1000000x128xf32, #tpu.memory_space<hbm>> -> memref<1000000x128xf32, #tpu.memory_space<hbm>>
    %dma_start3A_60 = tpu.memref_slice %arg8[%dma_start3A_49] : memref<8x!tpu.dma_semaphore, #tpu.memory_space<semaphore_mem>> -> memref<1x!tpu.dma_semaphore, #tpu.memory_space<semaphore_mem>>
    %dma_start3A_61 = tpu.memref_squeeze %dma_start3A_60 : memref<1x!tpu.dma_semaphore, #tpu.memory_space<semaphore_mem>> -> memref<!tpu.dma_semaphore, #tpu.memory_space<semaphore_mem>>
    tpu.enqueue_indirect_dma source(%dma_start3A_59 : memref<1000000x128xf32, #tpu.memory_space<hbm>>) target(%dma_start3A_53 : memref<50x128xf32, #tpu.memory_space<vmem>>) offsets(%dma_start3A_56 : memref<50xi32, #tpu.memory_space<vmem>>) semaphore(%dma_start3A_61 : memref<!tpu.dma_semaphore, #tpu.memory_space<semaphore_mem>>)
    %dma_start3A_62 = arith.constant 4 : i32
    %dma_start3A_63 = arith.constant 4 : i32
    %dma_start3A_64 = arith.constant 4 : i32
    %dma_start3A_65 = arith.constant 0 : i32
    %dma_start3A_66 = arith.constant 0 : i32
    %dma_start3A_67 = tpu.memref_slice %arg6[%dma_start3A_63, %dma_start3A_65, %dma_start3A_66] : memref<8x50x128xf32, #tpu.memory_space<vmem>> -> memref<1x50x128xf32, #tpu.memory_space<vmem>>
    %dma_start3A_68 = tpu.memref_squeeze %dma_start3A_67 : memref<1x50x128xf32, #tpu.memory_space<vmem>> -> memref<50x128xf32, #tpu.memory_space<vmem>>
    %dma_start3A_69 = arith.constant 0 : i32
    %dma_start3A_70 = tpu.memref_slice %arg5[%dma_start3A_62, %dma_start3A_69] : memref<128x50xi32, #tpu.memory_space<vmem>> -> memref<1x50xi32, #tpu.memory_space<vmem>>
    %dma_start3A_71 = tpu.memref_squeeze %dma_start3A_70 : memref<1x50xi32, #tpu.memory_space<vmem>> -> memref<50xi32, #tpu.memory_space<vmem>>
    %dma_start3A_72 = arith.constant 0 : i32
    %dma_start3A_73 = arith.constant 0 : i32
    %dma_start3A_74 = tpu.memref_slice %arg3[%dma_start3A_72, %dma_start3A_73] : memref<1000000x128xf32, #tpu.memory_space<hbm>> -> memref<1000000x128xf32, #tpu.memory_space<hbm>>
    %dma_start3A_75 = tpu.memref_slice %arg8[%dma_start3A_64] : memref<8x!tpu.dma_semaphore, #tpu.memory_space<semaphore_mem>> -> memref<1x!tpu.dma_semaphore, #tpu.memory_space<semaphore_mem>>
    %dma_start3A_76 = tpu.memref_squeeze %dma_start3A_75 : memref<1x!tpu.dma_semaphore, #tpu.memory_space<semaphore_mem>> -> memref<!tpu.dma_semaphore, #tpu.memory_space<semaphore_mem>>
    tpu.enqueue_indirect_dma source(%dma_start3A_74 : memref<1000000x128xf32, #tpu.memory_space<hbm>>) target(%dma_start3A_68 : memref<50x128xf32, #tpu.memory_space<vmem>>) offsets(%dma_start3A_71 : memref<50xi32, #tpu.memory_space<vmem>>) semaphore(%dma_start3A_76 : memref<!tpu.dma_semaphore, #tpu.memory_space<semaphore_mem>>)
    %dma_start3A_77 = arith.constant 5 : i32
    %dma_start3A_78 = arith.constant 5 : i32
    %dma_start3A_79 = arith.constant 5 : i32
    %dma_start3A_80 = arith.constant 0 : i32
    %dma_start3A_81 = arith.constant 0 : i32
    %dma_start3A_82 = tpu.memref_slice %arg6[%dma_start3A_78, %dma_start3A_80, %dma_start3A_81] : memref<8x50x128xf32, #tpu.memory_space<vmem>> -> memref<1x50x128xf32, #tpu.memory_space<vmem>>
    %dma_start3A_83 = tpu.memref_squeeze %dma_start3A_82 : memref<1x50x128xf32, #tpu.memory_space<vmem>> -> memref<50x128xf32, #tpu.memory_space<vmem>>
    %dma_start3A_84 = arith.constant 0 : i32
    %dma_start3A_85 = tpu.memref_slice %arg5[%dma_start3A_77, %dma_start3A_84] : memref<128x50xi32, #tpu.memory_space<vmem>> -> memref<1x50xi32, #tpu.memory_space<vmem>>
    %dma_start3A_86 = tpu.memref_squeeze %dma_start3A_85 : memref<1x50xi32, #tpu.memory_space<vmem>> -> memref<50xi32, #tpu.memory_space<vmem>>
    %dma_start3A_87 = arith.constant 0 : i32
    %dma_start3A_88 = arith.constant 0 : i32
    %dma_start3A_89 = tpu.memref_slice %arg3[%dma_start3A_87, %dma_start3A_88] : memref<1000000x128xf32, #tpu.memory_space<hbm>> -> memref<1000000x128xf32, #tpu.memory_space<hbm>>
    %dma_start3A_90 = tpu.memref_slice %arg8[%dma_start3A_79] : memref<8x!tpu.dma_semaphore, #tpu.memory_space<semaphore_mem>> -> memref<1x!tpu.dma_semaphore, #tpu.memory_space<semaphore_mem>>
    %dma_start3A_91 = tpu.memref_squeeze %dma_start3A_90 : memref<1x!tpu.dma_semaphore, #tpu.memory_space<semaphore_mem>> -> memref<!tpu.dma_semaphore, #tpu.memory_space<semaphore_mem>>
    tpu.enqueue_indirect_dma source(%dma_start3A_89 : memref<1000000x128xf32, #tpu.memory_space<hbm>>) target(%dma_start3A_83 : memref<50x128xf32, #tpu.memory_space<vmem>>) offsets(%dma_start3A_86 : memref<50xi32, #tpu.memory_space<vmem>>) semaphore(%dma_start3A_91 : memref<!tpu.dma_semaphore, #tpu.memory_space<semaphore_mem>>)
    %dma_start3A_92 = arith.constant 6 : i32
    %dma_start3A_93 = arith.constant 6 : i32
    %dma_start3A_94 = arith.constant 6 : i32
    %dma_start3A_95 = arith.constant 0 : i32
    %dma_start3A_96 = arith.constant 0 : i32
    %dma_start3A_97 = tpu.memref_slice %arg6[%dma_start3A_93, %dma_start3A_95, %dma_start3A_96] : memref<8x50x128xf32, #tpu.memory_space<vmem>> -> memref<1x50x128xf32, #tpu.memory_space<vmem>>
    %dma_start3A_98 = tpu.memref_squeeze %dma_start3A_97 : memref<1x50x128xf32, #tpu.memory_space<vmem>> -> memref<50x128xf32, #tpu.memory_space<vmem>>
    %dma_start3A_99 = arith.constant 0 : i32
    %dma_start3A_100 = tpu.memref_slice %arg5[%dma_start3A_92, %dma_start3A_99] : memref<128x50xi32, #tpu.memory_space<vmem>> -> memref<1x50xi32, #tpu.memory_space<vmem>>
    %dma_start3A_101 = tpu.memref_squeeze %dma_start3A_100 : memref<1x50xi32, #tpu.memory_space<vmem>> -> memref<50xi32, #tpu.memory_space<vmem>>
    %dma_start3A_102 = arith.constant 0 : i32
    %dma_start3A_103 = arith.constant 0 : i32
    %dma_start3A_104 = tpu.memref_slice %arg3[%dma_start3A_102, %dma_start3A_103] : memref<1000000x128xf32, #tpu.memory_space<hbm>> -> memref<1000000x128xf32, #tpu.memory_space<hbm>>
    %dma_start3A_105 = tpu.memref_slice %arg8[%dma_start3A_94] : memref<8x!tpu.dma_semaphore, #tpu.memory_space<semaphore_mem>> -> memref<1x!tpu.dma_semaphore, #tpu.memory_space<semaphore_mem>>
    %dma_start3A_106 = tpu.memref_squeeze %dma_start3A_105 : memref<1x!tpu.dma_semaphore, #tpu.memory_space<semaphore_mem>> -> memref<!tpu.dma_semaphore, #tpu.memory_space<semaphore_mem>>
    tpu.enqueue_indirect_dma source(%dma_start3A_104 : memref<1000000x128xf32, #tpu.memory_space<hbm>>) target(%dma_start3A_98 : memref<50x128xf32, #tpu.memory_space<vmem>>) offsets(%dma_start3A_101 : memref<50xi32, #tpu.memory_space<vmem>>) semaphore(%dma_start3A_106 : memref<!tpu.dma_semaphore, #tpu.memory_space<semaphore_mem>>)
    %dma_start3A_107 = arith.constant 7 : i32
    %dma_start3A_108 = arith.constant 7 : i32
    %dma_start3A_109 = arith.constant 7 : i32
    %dma_start3A_110 = arith.constant 0 : i32
    %dma_start3A_111 = arith.constant 0 : i32
    %dma_start3A_112 = tpu.memref_slice %arg6[%dma_start3A_108, %dma_start3A_110, %dma_start3A_111] : memref<8x50x128xf32, #tpu.memory_space<vmem>> -> memref<1x50x128xf32, #tpu.memory_space<vmem>>
    %dma_start3A_113 = tpu.memref_squeeze %dma_start3A_112 : memref<1x50x128xf32, #tpu.memory_space<vmem>> -> memref<50x128xf32, #tpu.memory_space<vmem>>
    %dma_start3A_114 = arith.constant 0 : i32
    %dma_start3A_115 = tpu.memref_slice %arg5[%dma_start3A_107, %dma_start3A_114] : memref<128x50xi32, #tpu.memory_space<vmem>> -> memref<1x50xi32, #tpu.memory_space<vmem>>
    %dma_start3A_116 = tpu.memref_squeeze %dma_start3A_115 : memref<1x50xi32, #tpu.memory_space<vmem>> -> memref<50xi32, #tpu.memory_space<vmem>>
    %dma_start3A_117 = arith.constant 0 : i32
    %dma_start3A_118 = arith.constant 0 : i32
    %dma_start3A_119 = tpu.memref_slice %arg3[%dma_start3A_117, %dma_start3A_118] : memref<1000000x128xf32, #tpu.memory_space<hbm>> -> memref<1000000x128xf32, #tpu.memory_space<hbm>>
    %dma_start3A_120 = tpu.memref_slice %arg8[%dma_start3A_109] : memref<8x!tpu.dma_semaphore, #tpu.memory_space<semaphore_mem>> -> memref<1x!tpu.dma_semaphore, #tpu.memory_space<semaphore_mem>>
    %dma_start3A_121 = tpu.memref_squeeze %dma_start3A_120 : memref<1x!tpu.dma_semaphore, #tpu.memory_space<semaphore_mem>> -> memref<!tpu.dma_semaphore, #tpu.memory_space<semaphore_mem>>
    tpu.enqueue_indirect_dma source(%dma_start3A_119 : memref<1000000x128xf32, #tpu.memory_space<hbm>>) target(%dma_start3A_113 : memref<50x128xf32, #tpu.memory_space<vmem>>) offsets(%dma_start3A_116 : memref<50xi32, #tpu.memory_space<vmem>>) semaphore(%dma_start3A_121 : memref<!tpu.dma_semaphore, #tpu.memory_space<semaphore_mem>>)
    %scan3A = arith.constant 0 : i32
    %scan3A_122 = arith.constant 0 : i32
    %scan3A_123 = arith.constant 128 : i32
    %scan3A_124 = arith.addi %scan3A_122, %scan3A_123 : i32
    %scan3A_125 = arith.constant 1 : i32
    scf.for %scan3A_302 = %scan3A_122 to %scan3A_124 step %scan3A_125  : i32 {
      %rem3A = arith.constant 8 : i32
      %rem3A_303 = arith.remsi %scan3A_302, %rem3A : i32
      %dma_wait3A_304 = arith.constant 0 : i32
      %dma_wait3A_305 = arith.constant 0 : i32
      %dma_wait3A_306 = tpu.memref_slice %arg6[%rem3A_303, %dma_wait3A_304, %dma_wait3A_305] : memref<8x50x128xf32, #tpu.memory_space<vmem>> -> memref<1x50x128xf32, #tpu.memory_space<vmem>>
      %dma_wait3A_307 = tpu.memref_squeeze %dma_wait3A_306 : memref<1x50x128xf32, #tpu.memory_space<vmem>> -> memref<50x128xf32, #tpu.memory_space<vmem>>
      %dma_wait3A_308 = arith.constant 0 : i32
      %dma_wait3A_309 = tpu.memref_slice %arg5[%scan3A_302, %dma_wait3A_308] : memref<128x50xi32, #tpu.memory_space<vmem>> -> memref<1x50xi32, #tpu.memory_space<vmem>>
      %dma_wait3A_310 = tpu.memref_squeeze %dma_wait3A_309 : memref<1x50xi32, #tpu.memory_space<vmem>> -> memref<50xi32, #tpu.memory_space<vmem>>
      %dma_wait3A_311 = arith.constant 0 : i32
      %dma_wait3A_312 = arith.constant 0 : i32
      %dma_wait3A_313 = tpu.memref_slice %arg3[%dma_wait3A_311, %dma_wait3A_312] : memref<1000000x128xf32, #tpu.memory_space<hbm>> -> memref<1000000x128xf32, #tpu.memory_space<hbm>>
      %dma_wait3A_314 = tpu.memref_slice %arg8[%rem3A_303] : memref<8x!tpu.dma_semaphore, #tpu.memory_space<semaphore_mem>> -> memref<1x!tpu.dma_semaphore, #tpu.memory_space<semaphore_mem>>
      %dma_wait3A_315 = tpu.memref_squeeze %dma_wait3A_314 : memref<1x!tpu.dma_semaphore, #tpu.memory_space<semaphore_mem>> -> memref<!tpu.dma_semaphore, #tpu.memory_space<semaphore_mem>>
      tpu.wait_indirect_dma semaphore(%dma_wait3A_315 : memref<!tpu.dma_semaphore, #tpu.memory_space<semaphore_mem>>) src(%dma_wait3A_313 : memref<1000000x128xf32, #tpu.memory_space<hbm>>) dst(%dma_wait3A_307 : memref<50x128xf32, #tpu.memory_space<vmem>>)
      %ge3A = arith.constant 8 : i32
      %ge3A_316 = arith.cmpi sge, %scan3A_302, %ge3A : i32
      %convert_element_type3A = arith.extui %ge3A_316 : i1 to i32
      %cond3A = arith.constant 0 : i32
      %cond3A_317 = arith.cmpi ne, %convert_element_type3A, %cond3A : i32
      scf.if %cond3A_317 {
        %sub3A = arith.constant 8 : i32
        %sub3A_347 = arith.subi %scan3A_302, %sub3A : i32
        %mul3A_348 = arith.constant 1 : i32
        %mul3A_349 = arith.muli %sub3A_347, %mul3A_348 : i32
        %add3A_350 = arith.addi %mul3A_2, %mul3A_349 : i32
        %dma_wait3A_351 = arith.constant 0 : i32
        %dma_wait3A_352 = arith.constant 0 : i32
        %dma_wait3A_353 = arith.constant 0 : i32
        %dma_wait3A_354 = tpu.memref_slice %arg7[%rem3A_303, %dma_wait3A_351, %dma_wait3A_352, %dma_wait3A_353] : memref<8x1x50x64xf32, #tpu.memory_space<vmem>> -> memref<1x1x50x64xf32, #tpu.memory_space<vmem>>
        %dma_wait3A_355 = tpu.memref_squeeze %dma_wait3A_354 : memref<1x1x50x64xf32, #tpu.memory_space<vmem>> -> memref<1x50x64xf32, #tpu.memory_space<vmem>>
        %dma_wait3A_356 = arith.constant 0 : i32
        %dma_wait3A_357 = arith.constant 0 : i32
        %dma_wait3A_358 = tpu.memref_slice %arg4[%add3A_350, %dma_wait3A_356, %dma_wait3A_357] : memref<4096x50x64xf32, #tpu.memory_space<hbm>> -> memref<1x50x64xf32, #tpu.memory_space<hbm>>
        %dma_wait3A_359 = tpu.memref_slice %arg9[%rem3A_303] : memref<8x!tpu.dma_semaphore, #tpu.memory_space<semaphore_mem>> -> memref<1x!tpu.dma_semaphore, #tpu.memory_space<semaphore_mem>>
        %dma_wait3A_360 = tpu.memref_squeeze %dma_wait3A_359 : memref<1x!tpu.dma_semaphore, #tpu.memory_space<semaphore_mem>> -> memref<!tpu.dma_semaphore, #tpu.memory_space<semaphore_mem>>
        %dma_wait3A_361 = arith.constant 0 : i32
        %dma_wait3A_362 = arith.constant 0 : i32
        %dma_wait3A_363 = tpu.memref_slice %arg4[%add3A_350, %dma_wait3A_361, %dma_wait3A_362] : memref<4096x50x64xf32, #tpu.memory_space<hbm>> -> memref<1x50x64xf32, #tpu.memory_space<hbm>>
        %dma_wait3A_364 = arith.constant 0 : i32
        %dma_wait3A_365 = arith.constant 0 : i32
        %dma_wait3A_366 = arith.constant 0 : i32
        %dma_wait3A_367 = tpu.memref_slice %arg7[%rem3A_303, %dma_wait3A_364, %dma_wait3A_365, %dma_wait3A_366] : memref<8x1x50x64xf32, #tpu.memory_space<vmem>> -> memref<1x1x50x64xf32, #tpu.memory_space<vmem>>
        %dma_wait3A_368 = tpu.memref_squeeze %dma_wait3A_367 : memref<1x1x50x64xf32, #tpu.memory_space<vmem>> -> memref<1x50x64xf32, #tpu.memory_space<vmem>>
        tpu.wait_dma2 semaphore(%dma_wait3A_360 : memref<!tpu.dma_semaphore, #tpu.memory_space<semaphore_mem>>) src(%dma_wait3A_368 : memref<1x50x64xf32, #tpu.memory_space<vmem>>) dst(%dma_wait3A_363 : memref<1x50x64xf32, #tpu.memory_space<hbm>>)
      } else {
      }
      %parallel_loop3A = arith.constant 0 : i32
      %parallel_loop3A_318 = arith.constant 50 : i32
      %parallel_loop3A_319 = arith.constant 1 : i32
      scf.for %parallel_loop3A_347 = %parallel_loop3A to %parallel_loop3A_318 step %parallel_loop3A_319  : i32 {
        %parallel_loop3A_348 = arith.constant 0 : i32
        %parallel_loop3A_349 = arith.addi %parallel_loop3A_348, %parallel_loop3A_347 : i32
        %parallel_loop3A_350 = arith.index_cast %rem3A_303 : i32 to index
        %parallel_loop3A_351 = arith.index_cast %parallel_loop3A_349 : i32 to index
        %parallel_loop3A_352 = arith.constant 0 : index
        %parallel_loop3A_353 = tpu.vector_load %arg6[%parallel_loop3A_350, %parallel_loop3A_351, %parallel_loop3A_352] {strides = array<i32>} : memref<8x50x128xf32, #tpu.memory_space<vmem>>, vector<1x1x16xf32>,
        %parallel_loop3A_354 = vector.shape_cast %parallel_loop3A_353 : vector<1x1x16xf32> to vector<16xf32>
        %parallel_loop3A_355 = arith.constant 8.000000e+00 : f32
        %parallel_loop3A_356 = vector.broadcast %parallel_loop3A_355 : f32 to vector<16xf32>
        %parallel_loop3A_357 = arith.mulf %parallel_loop3A_354, %parallel_loop3A_356 : vector<16xf32>
        %parallel_loop3A_358 = arith.constant 0 : i32
        %parallel_loop3A_359 = arith.index_cast %rem3A_303 : i32 to index
        %parallel_loop3A_360 = arith.index_cast %parallel_loop3A_358 : i32 to index
        %parallel_loop3A_361 = arith.index_cast %parallel_loop3A_347 : i32 to index
        %parallel_loop3A_362 = arith.constant 0 : index
        %parallel_loop3A_363 = tpu.vector_load %arg7[%parallel_loop3A_359, %parallel_loop3A_360, %parallel_loop3A_361, %parallel_loop3A_362] {strides = array<i32>} : memref<8x1x50x64xf32, #tpu.memory_space<vmem>>, vector<1x1x1x16xf32>,
        %parallel_loop3A_364 = vector.shape_cast %parallel_loop3A_363 : vector<1x1x1x16xf32> to vector<16xf32>
        %parallel_loop3A_365 = vector.shape_cast %parallel_loop3A_357 : vector<16xf32> to vector<1x1x1x16xf32>
        tpu.vector_store %arg7[%parallel_loop3A_359, %parallel_loop3A_360, %parallel_loop3A_361, %parallel_loop3A_362], %parallel_loop3A_365 {strides = array<i32>} : memref<8x1x50x64xf32, #tpu.memory_space<vmem>>, vector<1x1x1x16xf32>,
        %parallel_loop3A_366 = arith.constant 0 : i32
        %parallel_loop3A_367 = arith.addi %parallel_loop3A_366, %parallel_loop3A_347 : i32
        %parallel_loop3A_368 = arith.index_cast %rem3A_303 : i32 to index
        %parallel_loop3A_369 = arith.index_cast %parallel_loop3A_367 : i32 to index
        %parallel_loop3A_370 = arith.constant 16 : index
        %parallel_loop3A_371 = tpu.vector_load %arg6[%parallel_loop3A_368, %parallel_loop3A_369, %parallel_loop3A_370] {strides = array<i32>} : memref<8x50x128xf32, #tpu.memory_space<vmem>>, vector<1x1x16xf32>,
        %parallel_loop3A_372 = vector.shape_cast %parallel_loop3A_371 : vector<1x1x16xf32> to vector<16xf32>
        %parallel_loop3A_373 = arith.constant 8.000000e+00 : f32
        %parallel_loop3A_374 = vector.broadcast %parallel_loop3A_373 : f32 to vector<16xf32>
        %parallel_loop3A_375 = arith.mulf %parallel_loop3A_372, %parallel_loop3A_374 : vector<16xf32>
        %parallel_loop3A_376 = arith.constant 0 : i32
        %parallel_loop3A_377 = arith.index_cast %rem3A_303 : i32 to index
        %parallel_loop3A_378 = arith.index_cast %parallel_loop3A_376 : i32 to index
        %parallel_loop3A_379 = arith.index_cast %parallel_loop3A_347 : i32 to index
        %parallel_loop3A_380 = arith.constant 16 : index
        %parallel_loop3A_381 = tpu.vector_load %arg7[%parallel_loop3A_377, %parallel_loop3A_378, %parallel_loop3A_379, %parallel_loop3A_380] {strides = array<i32>} : memref<8x1x50x64xf32, #tpu.memory_space<vmem>>, vector<1x1x1x16xf32>,
        %parallel_loop3A_382 = vector.shape_cast %parallel_loop3A_381 : vector<1x1x1x16xf32> to vector<16xf32>
        %parallel_loop3A_383 = vector.shape_cast %parallel_loop3A_375 : vector<16xf32> to vector<1x1x1x16xf32>
        tpu.vector_store %arg7[%parallel_loop3A_377, %parallel_loop3A_378, %parallel_loop3A_379, %parallel_loop3A_380], %parallel_loop3A_383 {strides = array<i32>} : memref<8x1x50x64xf32, #tpu.memory_space<vmem>>, vector<1x1x1x16xf32>,
        %parallel_loop3A_384 = arith.constant 0 : i32
        %parallel_loop3A_385 = arith.addi %parallel_loop3A_384, %parallel_loop3A_347 : i32
        %parallel_loop3A_386 = arith.index_cast %rem3A_303 : i32 to index
        %parallel_loop3A_387 = arith.index_cast %parallel_loop3A_385 : i32 to index
        %parallel_loop3A_388 = arith.constant 32 : index
        %parallel_loop3A_389 = tpu.vector_load %arg6[%parallel_loop3A_386, %parallel_loop3A_387, %parallel_loop3A_388] {strides = array<i32>} : memref<8x50x128xf32, #tpu.memory_space<vmem>>, vector<1x1x16xf32>,
        %parallel_loop3A_390 = vector.shape_cast %parallel_loop3A_389 : vector<1x1x16xf32> to vector<16xf32>
        %parallel_loop3A_391 = arith.constant 8.000000e+00 : f32
        %parallel_loop3A_392 = vector.broadcast %parallel_loop3A_391 : f32 to vector<16xf32>
        %parallel_loop3A_393 = arith.mulf %parallel_loop3A_390, %parallel_loop3A_392 : vector<16xf32>
        %parallel_loop3A_394 = arith.constant 0 : i32
        %parallel_loop3A_395 = arith.index_cast %rem3A_303 : i32 to index
        %parallel_loop3A_396 = arith.index_cast %parallel_loop3A_394 : i32 to index
        %parallel_loop3A_397 = arith.index_cast %parallel_loop3A_347 : i32 to index
        %parallel_loop3A_398 = arith.constant 32 : index
        %parallel_loop3A_399 = tpu.vector_load %arg7[%parallel_loop3A_395, %parallel_loop3A_396, %parallel_loop3A_397, %parallel_loop3A_398] {strides = array<i32>} : memref<8x1x50x64xf32, #tpu.memory_space<vmem>>, vector<1x1x1x16xf32>,
        %parallel_loop3A_400 = vector.shape_cast %parallel_loop3A_399 : vector<1x1x1x16xf32> to vector<16xf32>
        %parallel_loop3A_401 = vector.shape_cast %parallel_loop3A_393 : vector<16xf32> to vector<1x1x1x16xf32>
        tpu.vector_store %arg7[%parallel_loop3A_395, %parallel_loop3A_396, %parallel_loop3A_397, %parallel_loop3A_398], %parallel_loop3A_401 {strides = array<i32>} : memref<8x1x50x64xf32, #tpu.memory_space<vmem>>, vector<1x1x1x16xf32>,
        %parallel_loop3A_402 = arith.constant 0 : i32
        %parallel_loop3A_403 = arith.addi %parallel_loop3A_402, %parallel_loop3A_347 : i32
        %parallel_loop3A_404 = arith.index_cast %rem3A_303 : i32 to index
        %parallel_loop3A_405 = arith.index_cast %parallel_loop3A_403 : i32 to index
        %parallel_loop3A_406 = arith.constant 48 : index
        %parallel_loop3A_407 = tpu.vector_load %arg6[%parallel_loop3A_404, %parallel_loop3A_405, %parallel_loop3A_406] {strides = array<i32>} : memref<8x50x128xf32, #tpu.memory_space<vmem>>, vector<1x1x16xf32>,
        %parallel_loop3A_408 = vector.shape_cast %parallel_loop3A_407 : vector<1x1x16xf32> to vector<16xf32>
        %parallel_loop3A_409 = arith.constant 8.000000e+00 : f32
        %parallel_loop3A_410 = vector.broadcast %parallel_loop3A_409 : f32 to vector<16xf32>
        %parallel_loop3A_411 = arith.mulf %parallel_loop3A_408, %parallel_loop3A_410 : vector<16xf32>
        %parallel_loop3A_412 = arith.constant 0 : i32
        %parallel_loop3A_413 = arith.index_cast %rem3A_303 : i32 to index
        %parallel_loop3A_414 = arith.index_cast %parallel_loop3A_412 : i32 to index
        %parallel_loop3A_415 = arith.index_cast %parallel_loop3A_347 : i32 to index
        %parallel_loop3A_416 = arith.constant 48 : index
        %parallel_loop3A_417 = tpu.vector_load %arg7[%parallel_loop3A_413, %parallel_loop3A_414, %parallel_loop3A_415, %parallel_loop3A_416] {strides = array<i32>} : memref<8x1x50x64xf32, #tpu.memory_space<vmem>>, vector<1x1x1x16xf32>,
        %parallel_loop3A_418 = vector.shape_cast %parallel_loop3A_417 : vector<1x1x1x16xf32> to vector<16xf32>
        %parallel_loop3A_419 = vector.shape_cast %parallel_loop3A_411 : vector<16xf32> to vector<1x1x1x16xf32>
        tpu.vector_store %arg7[%parallel_loop3A_413, %parallel_loop3A_414, %parallel_loop3A_415, %parallel_loop3A_416], %parallel_loop3A_419 {strides = array<i32>} : memref<8x1x50x64xf32, #tpu.memory_space<vmem>>, vector<1x1x1x16xf32>,
      } {sc.loop_unroll_factor = 5 : i64, sc.parallel_access}
      %add3A_320 = arith.constant 8 : i32
      %add3A_321 = arith.addi %scan3A_302, %add3A_320 : i32
      %lt3A = arith.constant 128 : i32
      %lt3A_322 = arith.cmpi slt, %add3A_321, %lt3A : i32
      %convert_element_type3A_323 = arith.extui %lt3A_322 : i1 to i32
      %cond3A_324 = arith.constant 0 : i32
      %cond3A_325 = arith.cmpi ne, %convert_element_type3A_323, %cond3A_324 : i32
      scf.if %cond3A_325 {
        %add3A_347 = arith.constant 8 : i32
        %add3A_348 = arith.addi %scan3A_302, %add3A_347 : i32
        %dma_start3A_349 = arith.constant 0 : i32
        %dma_start3A_350 = arith.constant 0 : i32
        %dma_start3A_351 = tpu.memref_slice %arg6[%rem3A_303, %dma_start3A_349, %dma_start3A_350] : memref<8x50x128xf32, #tpu.memory_space<vmem>> -> memref<1x50x128xf32, #tpu.memory_space<vmem>>
        %dma_start3A_352 = tpu.memref_squeeze %dma_start3A_351 : memref<1x50x128xf32, #tpu.memory_space<vmem>> -> memref<50x128xf32, #tpu.memory_space<vmem>>
        %dma_start3A_353 = arith.constant 0 : i32
        %dma_start3A_354 = tpu.memref_slice %arg5[%add3A_348, %dma_start3A_353] : memref<128x50xi32, #tpu.memory_space<vmem>> -> memref<1x50xi32, #tpu.memory_space<vmem>>
        %dma_start3A_355 = tpu.memref_squeeze %dma_start3A_354 : memref<1x50xi32, #tpu.memory_space<vmem>> -> memref<50xi32, #tpu.memory_space<vmem>>
        %dma_start3A_356 = arith.constant 0 : i32
        %dma_start3A_357 = arith.constant 0 : i32
        %dma_start3A_358 = tpu.memref_slice %arg3[%dma_start3A_356, %dma_start3A_357] : memref<1000000x128xf32, #tpu.memory_space<hbm>> -> memref<1000000x128xf32, #tpu.memory_space<hbm>>
        %dma_start3A_359 = tpu.memref_slice %arg8[%rem3A_303] : memref<8x!tpu.dma_semaphore, #tpu.memory_space<semaphore_mem>> -> memref<1x!tpu.dma_semaphore, #tpu.memory_space<semaphore_mem>>
        %dma_start3A_360 = tpu.memref_squeeze %dma_start3A_359 : memref<1x!tpu.dma_semaphore, #tpu.memory_space<semaphore_mem>> -> memref<!tpu.dma_semaphore, #tpu.memory_space<semaphore_mem>>
        tpu.enqueue_indirect_dma source(%dma_start3A_358 : memref<1000000x128xf32, #tpu.memory_space<hbm>>) target(%dma_start3A_352 : memref<50x128xf32, #tpu.memory_space<vmem>>) offsets(%dma_start3A_355 : memref<50xi32, #tpu.memory_space<vmem>>) semaphore(%dma_start3A_360 : memref<!tpu.dma_semaphore, #tpu.memory_space<semaphore_mem>>)
      } else {
      }
      %mul3A_326 = arith.constant 1 : i32
      %mul3A_327 = arith.muli %scan3A_302, %mul3A_326 : i32
      %add3A_328 = arith.addi %mul3A_2, %mul3A_327 : i32
      %dma_start3A_329 = arith.constant 0 : i32
      %dma_start3A_330 = arith.constant 0 : i32
      %dma_start3A_331 = arith.constant 0 : i32
      %dma_start3A_332 = tpu.memref_slice %arg7[%rem3A_303, %dma_start3A_329, %dma_start3A_330, %dma_start3A_331] : memref<8x1x50x64xf32, #tpu.memory_space<vmem>> -> memref<1x1x50x64xf32, #tpu.memory_space<vmem>>
      %dma_start3A_333 = tpu.memref_squeeze %dma_start3A_332 : memref<1x1x50x64xf32, #tpu.memory_space<vmem>> -> memref<1x50x64xf32, #tpu.memory_space<vmem>>
      %dma_start3A_334 = arith.constant 0 : i32
      %dma_start3A_335 = arith.constant 0 : i32
      %dma_start3A_336 = tpu.memref_slice %arg4[%add3A_328, %dma_start3A_334, %dma_start3A_335] : memref<4096x50x64xf32, #tpu.memory_space<hbm>> -> memref<1x50x64xf32, #tpu.memory_space<hbm>>
      %dma_start3A_337 = tpu.memref_slice %arg9[%rem3A_303] : memref<8x!tpu.dma_semaphore, #tpu.memory_space<semaphore_mem>> -> memref<1x!tpu.dma_semaphore, #tpu.memory_space<semaphore_mem>>
      %dma_start3A_338 = tpu.memref_squeeze %dma_start3A_337 : memref<1x!tpu.dma_semaphore, #tpu.memory_space<semaphore_mem>> -> memref<!tpu.dma_semaphore, #tpu.memory_space<semaphore_mem>>
      %dma_start3A_339 = arith.constant 0 : i32
      %dma_start3A_340 = arith.constant 0 : i32
      %dma_start3A_341 = tpu.memref_slice %arg4[%add3A_328, %dma_start3A_339, %dma_start3A_340] : memref<4096x50x64xf32, #tpu.memory_space<hbm>> -> memref<1x50x64xf32, #tpu.memory_space<hbm>>
      %dma_start3A_342 = arith.constant 0 : i32
      %dma_start3A_343 = arith.constant 0 : i32
      %dma_start3A_344 = arith.constant 0 : i32
      %dma_start3A_345 = tpu.memref_slice %arg7[%rem3A_303, %dma_start3A_342, %dma_start3A_343, %dma_start3A_344] : memref<8x1x50x64xf32, #tpu.memory_space<vmem>> -> memref<1x1x50x64xf32, #tpu.memory_space<vmem>>
      %dma_start3A_346 = tpu.memref_squeeze %dma_start3A_345 : memref<1x1x50x64xf32, #tpu.memory_space<vmem>> -> memref<1x50x64xf32, #tpu.memory_space<vmem>>
      tpu.enqueue_dma source(%dma_start3A_346 : memref<1x50x64xf32, #tpu.memory_space<vmem>>) target(%dma_start3A_341 : memref<1x50x64xf32, #tpu.memory_space<hbm>>) target_semaphore(%dma_start3A_338 : memref<!tpu.dma_semaphore, #tpu.memory_space<semaphore_mem>>)
    }
    %scan3A_126 = arith.constant 128 : i32
    %add3A_127 = arith.constant 120 : i32
    %add3A_128 = arith.addi %mul3A_2, %add3A_127 : i32
    %dma_wait3A = arith.constant 0 : i32
    %dma_wait3A_129 = arith.constant 0 : i32
    %dma_wait3A_130 = arith.constant 0 : i32
    %dma_wait3A_131 = arith.constant 0 : i32
    %dma_wait3A_132 = arith.constant 0 : i32
    %dma_wait3A_133 = tpu.memref_slice %arg7[%dma_wait3A, %dma_wait3A_130, %dma_wait3A_131, %dma_wait3A_132] : memref<8x1x50x64xf32, #tpu.memory_space<vmem>> -> memref<1x1x50x64xf32, #tpu.memory_space<vmem>>
    %dma_wait3A_134 = tpu.memref_squeeze %dma_wait3A_133 : memref<1x1x50x64xf32, #tpu.memory_space<vmem>> -> memref<1x50x64xf32, #tpu.memory_space<vmem>>
    %dma_wait3A_135 = arith.constant 0 : i32
    %dma_wait3A_136 = arith.constant 0 : i32
    %dma_wait3A_137 = tpu.memref_slice %arg4[%add3A_128, %dma_wait3A_135, %dma_wait3A_136] : memref<4096x50x64xf32, #tpu.memory_space<hbm>> -> memref<1x50x64xf32, #tpu.memory_space<hbm>>
    %dma_wait3A_138 = tpu.memref_slice %arg9[%dma_wait3A_129] : memref<8x!tpu.dma_semaphore, #tpu.memory_space<semaphore_mem>> -> memref<1x!tpu.dma_semaphore, #tpu.memory_space<semaphore_mem>>
    %dma_wait3A_139 = tpu.memref_squeeze %dma_wait3A_138 : memref<1x!tpu.dma_semaphore, #tpu.memory_space<semaphore_mem>> -> memref<!tpu.dma_semaphore, #tpu.memory_space<semaphore_mem>>
    %dma_wait3A_140 = arith.constant 0 : i32
    %dma_wait3A_141 = arith.constant 0 : i32
    %dma_wait3A_142 = tpu.memref_slice %arg4[%add3A_128, %dma_wait3A_140, %dma_wait3A_141] : memref<4096x50x64xf32, #tpu.memory_space<hbm>> -> memref<1x50x64xf32, #tpu.memory_space<hbm>>
    %dma_wait3A_143 = arith.constant 0 : i32
    %dma_wait3A_144 = arith.constant 0 : i32
    %dma_wait3A_145 = arith.constant 0 : i32
    %dma_wait3A_146 = tpu.memref_slice %arg7[%dma_wait3A, %dma_wait3A_143, %dma_wait3A_144, %dma_wait3A_145] : memref<8x1x50x64xf32, #tpu.memory_space<vmem>> -> memref<1x1x50x64xf32, #tpu.memory_space<vmem>>
    %dma_wait3A_147 = tpu.memref_squeeze %dma_wait3A_146 : memref<1x1x50x64xf32, #tpu.memory_space<vmem>> -> memref<1x50x64xf32, #tpu.memory_space<vmem>>
    tpu.wait_dma2 semaphore(%dma_wait3A_139 : memref<!tpu.dma_semaphore, #tpu.memory_space<semaphore_mem>>) src(%dma_wait3A_147 : memref<1x50x64xf32, #tpu.memory_space<vmem>>) dst(%dma_wait3A_142 : memref<1x50x64xf32, #tpu.memory_space<hbm>>)
    %add3A_148 = arith.constant 121 : i32
    %add3A_149 = arith.addi %mul3A_2, %add3A_148 : i32
    %dma_wait3A_150 = arith.constant 1 : i32
    %dma_wait3A_151 = arith.constant 1 : i32
    %dma_wait3A_152 = arith.constant 0 : i32
    %dma_wait3A_153 = arith.constant 0 : i32
    %dma_wait3A_154 = arith.constant 0 : i32
    %dma_wait3A_155 = tpu.memref_slice %arg7[%dma_wait3A_150, %dma_wait3A_152, %dma_wait3A_153, %dma_wait3A_154] : memref<8x1x50x64xf32, #tpu.memory_space<vmem>> -> memref<1x1x50x64xf32, #tpu.memory_space<vmem>>
    %dma_wait3A_156 = tpu.memref_squeeze %dma_wait3A_155 : memref<1x1x50x64xf32, #tpu.memory_space<vmem>> -> memref<1x50x64xf32, #tpu.memory_space<vmem>>
    %dma_wait3A_157 = arith.constant 0 : i32
    %dma_wait3A_158 = arith.constant 0 : i32
    %dma_wait3A_159 = tpu.memref_slice %arg4[%add3A_149, %dma_wait3A_157, %dma_wait3A_158] : memref<4096x50x64xf32, #tpu.memory_space<hbm>> -> memref<1x50x64xf32, #tpu.memory_space<hbm>>
    %dma_wait3A_160 = tpu.memref_slice %arg9[%dma_wait3A_151] : memref<8x!tpu.dma_semaphore, #tpu.memory_space<semaphore_mem>> -> memref<1x!tpu.dma_semaphore, #tpu.memory_space<semaphore_mem>>
    %dma_wait3A_161 = tpu.memref_squeeze %dma_wait3A_160 : memref<1x!tpu.dma_semaphore, #tpu.memory_space<semaphore_mem>> -> memref<!tpu.dma_semaphore, #tpu.memory_space<semaphore_mem>>
    %dma_wait3A_162 = arith.constant 0 : i32
    %dma_wait3A_163 = arith.constant 0 : i32
    %dma_wait3A_164 = tpu.memref_slice %arg4[%add3A_149, %dma_wait3A_162, %dma_wait3A_163] : memref<4096x50x64xf32, #tpu.memory_space<hbm>> -> memref<1x50x64xf32, #tpu.memory_space<hbm>>
    %dma_wait3A_165 = arith.constant 0 : i32
    %dma_wait3A_166 = arith.constant 0 : i32
    %dma_wait3A_167 = arith.constant 0 : i32
    %dma_wait3A_168 = tpu.memref_slice %arg7[%dma_wait3A_150, %dma_wait3A_165, %dma_wait3A_166, %dma_wait3A_167] : memref<8x1x50x64xf32, #tpu.memory_space<vmem>> -> memref<1x1x50x64xf32, #tpu.memory_space<vmem>>
    %dma_wait3A_169 = tpu.memref_squeeze %dma_wait3A_168 : memref<1x1x50x64xf32, #tpu.memory_space<vmem>> -> memref<1x50x64xf32, #tpu.memory_space<vmem>>
    tpu.wait_dma2 semaphore(%dma_wait3A_161 : memref<!tpu.dma_semaphore, #tpu.memory_space<semaphore_mem>>) src(%dma_wait3A_169 : memref<1x50x64xf32, #tpu.memory_space<vmem>>) dst(%dma_wait3A_164 : memref<1x50x64xf32, #tpu.memory_space<hbm>>)
    %add3A_170 = arith.constant 122 : i32
    %add3A_171 = arith.addi %mul3A_2, %add3A_170 : i32
    %dma_wait3A_172 = arith.constant 2 : i32
    %dma_wait3A_173 = arith.constant 2 : i32
    %dma_wait3A_174 = arith.constant 0 : i32
    %dma_wait3A_175 = arith.constant 0 : i32
    %dma_wait3A_176 = arith.constant 0 : i32
    %dma_wait3A_177 = tpu.memref_slice %arg7[%dma_wait3A_172, %dma_wait3A_174, %dma_wait3A_175, %dma_wait3A_176] : memref<8x1x50x64xf32, #tpu.memory_space<vmem>> -> memref<1x1x50x64xf32, #tpu.memory_space<vmem>>
    %dma_wait3A_178 = tpu.memref_squeeze %dma_wait3A_177 : memref<1x1x50x64xf32, #tpu.memory_space<vmem>> -> memref<1x50x64xf32, #tpu.memory_space<vmem>>
    %dma_wait3A_179 = arith.constant 0 : i32
    %dma_wait3A_180 = arith.constant 0 : i32
    %dma_wait3A_181 = tpu.memref_slice %arg4[%add3A_171, %dma_wait3A_179, %dma_wait3A_180] : memref<4096x50x64xf32, #tpu.memory_space<hbm>> -> memref<1x50x64xf32, #tpu.memory_space<hbm>>
    %dma_wait3A_182 = tpu.memref_slice %arg9[%dma_wait3A_173] : memref<8x!tpu.dma_semaphore, #tpu.memory_space<semaphore_mem>> -> memref<1x!tpu.dma_semaphore, #tpu.memory_space<semaphore_mem>>
    %dma_wait3A_183 = tpu.memref_squeeze %dma_wait3A_182 : memref<1x!tpu.dma_semaphore, #tpu.memory_space<semaphore_mem>> -> memref<!tpu.dma_semaphore, #tpu.memory_space<semaphore_mem>>
    %dma_wait3A_184 = arith.constant 0 : i32
    %dma_wait3A_185 = arith.constant 0 : i32
    %dma_wait3A_186 = tpu.memref_slice %arg4[%add3A_171, %dma_wait3A_184, %dma_wait3A_185] : memref<4096x50x64xf32, #tpu.memory_space<hbm>> -> memref<1x50x64xf32, #tpu.memory_space<hbm>>
    %dma_wait3A_187 = arith.constant 0 : i32
    %dma_wait3A_188 = arith.constant 0 : i32
    %dma_wait3A_189 = arith.constant 0 : i32
    %dma_wait3A_190 = tpu.memref_slice %arg7[%dma_wait3A_172, %dma_wait3A_187, %dma_wait3A_188, %dma_wait3A_189] : memref<8x1x50x64xf32, #tpu.memory_space<vmem>> -> memref<1x1x50x64xf32, #tpu.memory_space<vmem>>
    %dma_wait3A_191 = tpu.memref_squeeze %dma_wait3A_190 : memref<1x1x50x64xf32, #tpu.memory_space<vmem>> -> memref<1x50x64xf32, #tpu.memory_space<vmem>>
    tpu.wait_dma2 semaphore(%dma_wait3A_183 : memref<!tpu.dma_semaphore, #tpu.memory_space<semaphore_mem>>) src(%dma_wait3A_191 : memref<1x50x64xf32, #tpu.memory_space<vmem>>) dst(%dma_wait3A_186 : memref<1x50x64xf32, #tpu.memory_space<hbm>>)
    %add3A_192 = arith.constant 123 : i32
    %add3A_193 = arith.addi %mul3A_2, %add3A_192 : i32
    %dma_wait3A_194 = arith.constant 3 : i32
    %dma_wait3A_195 = arith.constant 3 : i32
    %dma_wait3A_196 = arith.constant 0 : i32
    %dma_wait3A_197 = arith.constant 0 : i32
    %dma_wait3A_198 = arith.constant 0 : i32
    %dma_wait3A_199 = tpu.memref_slice %arg7[%dma_wait3A_194, %dma_wait3A_196, %dma_wait3A_197, %dma_wait3A_198] : memref<8x1x50x64xf32, #tpu.memory_space<vmem>> -> memref<1x1x50x64xf32, #tpu.memory_space<vmem>>
    %dma_wait3A_200 = tpu.memref_squeeze %dma_wait3A_199 : memref<1x1x50x64xf32, #tpu.memory_space<vmem>> -> memref<1x50x64xf32, #tpu.memory_space<vmem>>
    %dma_wait3A_201 = arith.constant 0 : i32
    %dma_wait3A_202 = arith.constant 0 : i32
    %dma_wait3A_203 = tpu.memref_slice %arg4[%add3A_193, %dma_wait3A_201, %dma_wait3A_202] : memref<4096x50x64xf32, #tpu.memory_space<hbm>> -> memref<1x50x64xf32, #tpu.memory_space<hbm>>
    %dma_wait3A_204 = tpu.memref_slice %arg9[%dma_wait3A_195] : memref<8x!tpu.dma_semaphore, #tpu.memory_space<semaphore_mem>> -> memref<1x!tpu.dma_semaphore, #tpu.memory_space<semaphore_mem>>
    %dma_wait3A_205 = tpu.memref_squeeze %dma_wait3A_204 : memref<1x!tpu.dma_semaphore, #tpu.memory_space<semaphore_mem>> -> memref<!tpu.dma_semaphore, #tpu.memory_space<semaphore_mem>>
    %dma_wait3A_206 = arith.constant 0 : i32
    %dma_wait3A_207 = arith.constant 0 : i32
    %dma_wait3A_208 = tpu.memref_slice %arg4[%add3A_193, %dma_wait3A_206, %dma_wait3A_207] : memref<4096x50x64xf32, #tpu.memory_space<hbm>> -> memref<1x50x64xf32, #tpu.memory_space<hbm>>
    %dma_wait3A_209 = arith.constant 0 : i32
    %dma_wait3A_210 = arith.constant 0 : i32
    %dma_wait3A_211 = arith.constant 0 : i32
    %dma_wait3A_212 = tpu.memref_slice %arg7[%dma_wait3A_194, %dma_wait3A_209, %dma_wait3A_210, %dma_wait3A_211] : memref<8x1x50x64xf32, #tpu.memory_space<vmem>> -> memref<1x1x50x64xf32, #tpu.memory_space<vmem>>
    %dma_wait3A_213 = tpu.memref_squeeze %dma_wait3A_212 : memref<1x1x50x64xf32, #tpu.memory_space<vmem>> -> memref<1x50x64xf32, #tpu.memory_space<vmem>>
    tpu.wait_dma2 semaphore(%dma_wait3A_205 : memref<!tpu.dma_semaphore, #tpu.memory_space<semaphore_mem>>) src(%dma_wait3A_213 : memref<1x50x64xf32, #tpu.memory_space<vmem>>) dst(%dma_wait3A_208 : memref<1x50x64xf32, #tpu.memory_space<hbm>>)
    %add3A_214 = arith.constant 124 : i32
    %add3A_215 = arith.addi %mul3A_2, %add3A_214 : i32
    %dma_wait3A_216 = arith.constant 4 : i32
    %dma_wait3A_217 = arith.constant 4 : i32
    %dma_wait3A_218 = arith.constant 0 : i32
    %dma_wait3A_219 = arith.constant 0 : i32
    %dma_wait3A_220 = arith.constant 0 : i32
    %dma_wait3A_221 = tpu.memref_slice %arg7[%dma_wait3A_216, %dma_wait3A_218, %dma_wait3A_219, %dma_wait3A_220] : memref<8x1x50x64xf32, #tpu.memory_space<vmem>> -> memref<1x1x50x64xf32, #tpu.memory_space<vmem>>
    %dma_wait3A_222 = tpu.memref_squeeze %dma_wait3A_221 : memref<1x1x50x64xf32, #tpu.memory_space<vmem>> -> memref<1x50x64xf32, #tpu.memory_space<vmem>>
    %dma_wait3A_223 = arith.constant 0 : i32
    %dma_wait3A_224 = arith.constant 0 : i32
    %dma_wait3A_225 = tpu.memref_slice %arg4[%add3A_215, %dma_wait3A_223, %dma_wait3A_224] : memref<4096x50x64xf32, #tpu.memory_space<hbm>> -> memref<1x50x64xf32, #tpu.memory_space<hbm>>
    %dma_wait3A_226 = tpu.memref_slice %arg9[%dma_wait3A_217] : memref<8x!tpu.dma_semaphore, #tpu.memory_space<semaphore_mem>> -> memref<1x!tpu.dma_semaphore, #tpu.memory_space<semaphore_mem>>
    %dma_wait3A_227 = tpu.memref_squeeze %dma_wait3A_226 : memref<1x!tpu.dma_semaphore, #tpu.memory_space<semaphore_mem>> -> memref<!tpu.dma_semaphore, #tpu.memory_space<semaphore_mem>>
    %dma_wait3A_228 = arith.constant 0 : i32
    %dma_wait3A_229 = arith.constant 0 : i32
    %dma_wait3A_230 = tpu.memref_slice %arg4[%add3A_215, %dma_wait3A_228, %dma_wait3A_229] : memref<4096x50x64xf32, #tpu.memory_space<hbm>> -> memref<1x50x64xf32, #tpu.memory_space<hbm>>
    %dma_wait3A_231 = arith.constant 0 : i32
    %dma_wait3A_232 = arith.constant 0 : i32
    %dma_wait3A_233 = arith.constant 0 : i32
    %dma_wait3A_234 = tpu.memref_slice %arg7[%dma_wait3A_216, %dma_wait3A_231, %dma_wait3A_232, %dma_wait3A_233] : memref<8x1x50x64xf32, #tpu.memory_space<vmem>> -> memref<1x1x50x64xf32, #tpu.memory_space<vmem>>
    %dma_wait3A_235 = tpu.memref_squeeze %dma_wait3A_234 : memref<1x1x50x64xf32, #tpu.memory_space<vmem>> -> memref<1x50x64xf32, #tpu.memory_space<vmem>>
    tpu.wait_dma2 semaphore(%dma_wait3A_227 : memref<!tpu.dma_semaphore, #tpu.memory_space<semaphore_mem>>) src(%dma_wait3A_235 : memref<1x50x64xf32, #tpu.memory_space<vmem>>) dst(%dma_wait3A_230 : memref<1x50x64xf32, #tpu.memory_space<hbm>>)
    %add3A_236 = arith.constant 125 : i32
    %add3A_237 = arith.addi %mul3A_2, %add3A_236 : i32
    %dma_wait3A_238 = arith.constant 5 : i32
    %dma_wait3A_239 = arith.constant 5 : i32
    %dma_wait3A_240 = arith.constant 0 : i32
    %dma_wait3A_241 = arith.constant 0 : i32
    %dma_wait3A_242 = arith.constant 0 : i32
    %dma_wait3A_243 = tpu.memref_slice %arg7[%dma_wait3A_238, %dma_wait3A_240, %dma_wait3A_241, %dma_wait3A_242] : memref<8x1x50x64xf32, #tpu.memory_space<vmem>> -> memref<1x1x50x64xf32, #tpu.memory_space<vmem>>
    %dma_wait3A_244 = tpu.memref_squeeze %dma_wait3A_243 : memref<1x1x50x64xf32, #tpu.memory_space<vmem>> -> memref<1x50x64xf32, #tpu.memory_space<vmem>>
    %dma_wait3A_245 = arith.constant 0 : i32
    %dma_wait3A_246 = arith.constant 0 : i32
    %dma_wait3A_247 = tpu.memref_slice %arg4[%add3A_237, %dma_wait3A_245, %dma_wait3A_246] : memref<4096x50x64xf32, #tpu.memory_space<hbm>> -> memref<1x50x64xf32, #tpu.memory_space<hbm>>
    %dma_wait3A_248 = tpu.memref_slice %arg9[%dma_wait3A_239] : memref<8x!tpu.dma_semaphore, #tpu.memory_space<semaphore_mem>> -> memref<1x!tpu.dma_semaphore, #tpu.memory_space<semaphore_mem>>
    %dma_wait3A_249 = tpu.memref_squeeze %dma_wait3A_248 : memref<1x!tpu.dma_semaphore, #tpu.memory_space<semaphore_mem>> -> memref<!tpu.dma_semaphore, #tpu.memory_space<semaphore_mem>>
    %dma_wait3A_250 = arith.constant 0 : i32
    %dma_wait3A_251 = arith.constant 0 : i32
    %dma_wait3A_252 = tpu.memref_slice %arg4[%add3A_237, %dma_wait3A_250, %dma_wait3A_251] : memref<4096x50x64xf32, #tpu.memory_space<hbm>> -> memref<1x50x64xf32, #tpu.memory_space<hbm>>
    %dma_wait3A_253 = arith.constant 0 : i32
    %dma_wait3A_254 = arith.constant 0 : i32
    %dma_wait3A_255 = arith.constant 0 : i32
    %dma_wait3A_256 = tpu.memref_slice %arg7[%dma_wait3A_238, %dma_wait3A_253, %dma_wait3A_254, %dma_wait3A_255] : memref<8x1x50x64xf32, #tpu.memory_space<vmem>> -> memref<1x1x50x64xf32, #tpu.memory_space<vmem>>
    %dma_wait3A_257 = tpu.memref_squeeze %dma_wait3A_256 : memref<1x1x50x64xf32, #tpu.memory_space<vmem>> -> memref<1x50x64xf32, #tpu.memory_space<vmem>>
    tpu.wait_dma2 semaphore(%dma_wait3A_249 : memref<!tpu.dma_semaphore, #tpu.memory_space<semaphore_mem>>) src(%dma_wait3A_257 : memref<1x50x64xf32, #tpu.memory_space<vmem>>) dst(%dma_wait3A_252 : memref<1x50x64xf32, #tpu.memory_space<hbm>>)
    %add3A_258 = arith.constant 126 : i32
    %add3A_259 = arith.addi %mul3A_2, %add3A_258 : i32
    %dma_wait3A_260 = arith.constant 6 : i32
    %dma_wait3A_261 = arith.constant 6 : i32
    %dma_wait3A_262 = arith.constant 0 : i32
    %dma_wait3A_263 = arith.constant 0 : i32
    %dma_wait3A_264 = arith.constant 0 : i32
    %dma_wait3A_265 = tpu.memref_slice %arg7[%dma_wait3A_260, %dma_wait3A_262, %dma_wait3A_263, %dma_wait3A_264] : memref<8x1x50x64xf32, #tpu.memory_space<vmem>> -> memref<1x1x50x64xf32, #tpu.memory_space<vmem>>
    %dma_wait3A_266 = tpu.memref_squeeze %dma_wait3A_265 : memref<1x1x50x64xf32, #tpu.memory_space<vmem>> -> memref<1x50x64xf32, #tpu.memory_space<vmem>>
    %dma_wait3A_267 = arith.constant 0 : i32
    %dma_wait3A_268 = arith.constant 0 : i32
    %dma_wait3A_269 = tpu.memref_slice %arg4[%add3A_259, %dma_wait3A_267, %dma_wait3A_268] : memref<4096x50x64xf32, #tpu.memory_space<hbm>> -> memref<1x50x64xf32, #tpu.memory_space<hbm>>
    %dma_wait3A_270 = tpu.memref_slice %arg9[%dma_wait3A_261] : memref<8x!tpu.dma_semaphore, #tpu.memory_space<semaphore_mem>> -> memref<1x!tpu.dma_semaphore, #tpu.memory_space<semaphore_mem>>
    %dma_wait3A_271 = tpu.memref_squeeze %dma_wait3A_270 : memref<1x!tpu.dma_semaphore, #tpu.memory_space<semaphore_mem>> -> memref<!tpu.dma_semaphore, #tpu.memory_space<semaphore_mem>>
    %dma_wait3A_272 = arith.constant 0 : i32
    %dma_wait3A_273 = arith.constant 0 : i32
    %dma_wait3A_274 = tpu.memref_slice %arg4[%add3A_259, %dma_wait3A_272, %dma_wait3A_273] : memref<4096x50x64xf32, #tpu.memory_space<hbm>> -> memref<1x50x64xf32, #tpu.memory_space<hbm>>
    %dma_wait3A_275 = arith.constant 0 : i32
    %dma_wait3A_276 = arith.constant 0 : i32
    %dma_wait3A_277 = arith.constant 0 : i32
    %dma_wait3A_278 = tpu.memref_slice %arg7[%dma_wait3A_260, %dma_wait3A_275, %dma_wait3A_276, %dma_wait3A_277] : memref<8x1x50x64xf32, #tpu.memory_space<vmem>> -> memref<1x1x50x64xf32, #tpu.memory_space<vmem>>
    %dma_wait3A_279 = tpu.memref_squeeze %dma_wait3A_278 : memref<1x1x50x64xf32, #tpu.memory_space<vmem>> -> memref<1x50x64xf32, #tpu.memory_space<vmem>>
    tpu.wait_dma2 semaphore(%dma_wait3A_271 : memref<!tpu.dma_semaphore, #tpu.memory_space<semaphore_mem>>) src(%dma_wait3A_279 : memref<1x50x64xf32, #tpu.memory_space<vmem>>) dst(%dma_wait3A_274 : memref<1x50x64xf32, #tpu.memory_space<hbm>>)
    %add3A_280 = arith.constant 127 : i32
    %add3A_281 = arith.addi %mul3A_2, %add3A_280 : i32
    %dma_wait3A_282 = arith.constant 7 : i32
    %dma_wait3A_283 = arith.constant 7 : i32
    %dma_wait3A_284 = arith.constant 0 : i32
    %dma_wait3A_285 = arith.constant 0 : i32
    %dma_wait3A_286 = arith.constant 0 : i32
    %dma_wait3A_287 = tpu.memref_slice %arg7[%dma_wait3A_282, %dma_wait3A_284, %dma_wait3A_285, %dma_wait3A_286] : memref<8x1x50x64xf32, #tpu.memory_space<vmem>> -> memref<1x1x50x64xf32, #tpu.memory_space<vmem>>
    %dma_wait3A_288 = tpu.memref_squeeze %dma_wait3A_287 : memref<1x1x50x64xf32, #tpu.memory_space<vmem>> -> memref<1x50x64xf32, #tpu.memory_space<vmem>>
    %dma_wait3A_289 = arith.constant 0 : i32
    %dma_wait3A_290 = arith.constant 0 : i32
    %dma_wait3A_291 = tpu.memref_slice %arg4[%add3A_281, %dma_wait3A_289, %dma_wait3A_290] : memref<4096x50x64xf32, #tpu.memory_space<hbm>> -> memref<1x50x64xf32, #tpu.memory_space<hbm>>
    %dma_wait3A_292 = tpu.memref_slice %arg9[%dma_wait3A_283] : memref<8x!tpu.dma_semaphore, #tpu.memory_space<semaphore_mem>> -> memref<1x!tpu.dma_semaphore, #tpu.memory_space<semaphore_mem>>
    %dma_wait3A_293 = tpu.memref_squeeze %dma_wait3A_292 : memref<1x!tpu.dma_semaphore, #tpu.memory_space<semaphore_mem>> -> memref<!tpu.dma_semaphore, #tpu.memory_space<semaphore_mem>>
    %dma_wait3A_294 = arith.constant 0 : i32
    %dma_wait3A_295 = arith.constant 0 : i32
    %dma_wait3A_296 = tpu.memref_slice %arg4[%add3A_281, %dma_wait3A_294, %dma_wait3A_295] : memref<4096x50x64xf32, #tpu.memory_space<hbm>> -> memref<1x50x64xf32, #tpu.memory_space<hbm>>
    %dma_wait3A_297 = arith.constant 0 : i32
    %dma_wait3A_298 = arith.constant 0 : i32
    %dma_wait3A_299 = arith.constant 0 : i32
    %dma_wait3A_300 = tpu.memref_slice %arg7[%dma_wait3A_282, %dma_wait3A_297, %dma_wait3A_298, %dma_wait3A_299] : memref<8x1x50x64xf32, #tpu.memory_space<vmem>> -> memref<1x1x50x64xf32, #tpu.memory_space<vmem>>
    %dma_wait3A_301 = tpu.memref_squeeze %dma_wait3A_300 : memref<1x1x50x64xf32, #tpu.memory_space<vmem>> -> memref<1x50x64xf32, #tpu.memory_space<vmem>>
    tpu.wait_dma2 semaphore(%dma_wait3A_293 : memref<!tpu.dma_semaphore, #tpu.memory_space<semaphore_mem>>) src(%dma_wait3A_301 : memref<1x50x64xf32, #tpu.memory_space<vmem>>) dst(%dma_wait3A_296 : memref<1x50x64xf32, #tpu.memory_space<hbm>>)
    return
  }
}

</mosaic_0001>

<sc_bundles>
// kernel: kernel.3.cloned.1.call-start
scs
__scs_entry_jumppad:
0x0: {  	(pc) =	sbr.rel $0x88, $3  }
0x1: {  	(tag) =	ssettag $0x0;
	lr =	simm.s32 $0x1  }
0x2: {  	[smem:$0x3F9F] =	sst lr;
	_ =	strace $0xD0000000  }
0x3: {  	_ = 	snop  }
0x4: {  	_ = 	snop  }
0x5: {  	_ = 	snop  }
0x6: {  	_ = 	snop  }
0x7: {  	_ = 	snop  }
__scs_overlays_trampoline_lowered:
0x8: {  	[smem:$0x3FAE] =	sst s0  }
0x9: {  	[smem:$0x3FAF] =	sst s1  }
0xa: {  	[smem:$0x3FB0] =	sst s2  }
0xb: {  	[smem:$0x3FB1] =	sst s3  }
0xc: {  	[smem:$0x3FB2] =	sst s4  }
0xd: {  	[smem:$0x3FB3] =	sst s5  }
0xe: {  	[smem:$0x3FB4] =	sst s6  }
0xf: {  	[smem:$0x3FB5] =	sst s7  }
0x10: {  	[smem:$0x3FB6] =	sst s8  }
0x11: {  	[smem:$0x3FB7] =	sst s9;
	s0 =	simm.s32 @!p0 $0x0  }
0x12: {  	s1 =	sld [smem:$0x3F9D];
	s0 =	simm.s32 @p0 $0x1  }
0x13: {  	[smem:$0x3FB8] =	sst s0;
	s0 =	simm.s32 @!p1 $0x0  }
0x14: {  	s2 =	sld [smem:$0x3F9C];
	s0 =	simm.s32 @p1 $0x1  }
0x15: {  	[smem:$0x3FB9] =	sst s0;
	s0 =	simm.s32 @!p2 $0x0  }
0x16: {  	s3 =	sld [smem:$0x3FDB];
	s0 =	simm.s32 @p2 $0x1  }
0x17: {  	s4 =	simm.s32 $0x1BF5;
	[smem:$0x3FBB] =	sst s0  }
0x18: {  	s0 =	sld [smem:$0x3F9E];
	_ =	swait.ge [sflag:s4], $0x0  }
0x19: {  	s7 =	sld [smem:$0x3F9F]  }
0x1a: {  	s8 =	sadd.s32 $0xFFFFE003, lr  }
0x1b: {  	s9 =	sadd.s32 $0xFFFFFEF7, lr;
	s5 =	simm.s32 $0xFFFFFFFF;
	p2 =	slt.u32 s8, $0xFFFFF086  }
0x1c: {  	p1 =	slt.u32 s9, $0xF7A;
	s5 =	simm.s32 @!p2 $0x0  }
0x1d: {  	s5 =	simm.s32 @p1 $0x1;
	p0 =	seq.s32 s7, s2  }
0x1e: {  	s7 =	smul.u32 @!p0 $0xF7A, s2;
	p2 =	seq.s32 @!p0 s5, $0x0  }
0x1f: {  	s9 =	smul.u32 $0xF7A, s1;
	s8 =	simm.s32 @!p0 $0x1BF5;
	p2 =	por !p2, p0  }
0x20: {  	[sflag:s8] =	ssyncset.s32 @!p0 $0xFFFFF086;
	s6 =	sadd.s32 @!p0 s3, s7;
	s7 =	simm.s32 @!p0 $0x108  }
0x21: {  	s3 =	sadd.s32 s3, s9;
	s6 =	sadd.s32 @!p0 $0x88, s6;
	s7 =	simm.s32 @p2 $0x1082  }
0x22: {  	[simem:s7], [sflag:s8] =	dma.local @!p0 [hbm:s6], $0xF7A  }
0x23: {  	s9 =	sor.u32 $0xD0000000, s2;
	s6 =	simm.s32 $0x108;
	_ =	swait.ge @!p0 [sflag:s8], $0x0  }
0x24: {  	s3 =	sadd.s32 $0x88, s3;
	s6 =	simm.s32 @!p1 $0x1082;
	[sflag:s4] =	ssyncset.s32 $0xFFFFF086  }
0x25: {  	[simem:s6], [sflag:s4] =	dma.local [hbm:s3], $0xF7A  }
0x26: {  	[smem:$0x3F9F] =	sst s1;
	(tag) =	ssettag s2;
	_ =	strace s9  }
0x27: {  	s1 =	sld [smem:$0x3FAF]  }
0x28: {  	s2 =	sld [smem:$0x3FB0]  }
0x29: {  	s4 =	sld [smem:$0x3FB2]  }
0x2a: {  	p0 =	seq.s32 s5, $0x0;
	s5 =	sld [smem:$0x3FB3]  }
0x2b: {  	s6 =	sld [smem:$0x3FB4]  }
0x2c: {  	s7 =	sld [smem:$0x3FB5]  }
0x2d: {  	s3 =	simm.s32 $0x108;
	s8 =	sld [smem:$0x3FB6]  }
0x2e: {  	s3 =	simm.s32 @!p0 $0x1082;
	s9 =	sld [smem:$0x3FB7]  }
0x2f: {  	lr =	sadd.s32 s0, s3;
	s0 =	sld [smem:$0x3FAE]  }
0x30: {  	s3 =	sld [smem:$0x3FB1]  }
0x31: {  	[smem:$0x3FBA] =	sst s10  }
0x32: {  	s10 =	sld [smem:$0x3FB8];
	_ =	sdelay $0x3  }
0x33: {  	p0 =	seq.s32 s10, $0x1;
	s10 =	sld [smem:$0x3FBA];
	_ =	sdelay $0x3  }
0x34: {  	[smem:$0x3FBA] =	sst s10  }
0x35: {  	s10 =	sld [smem:$0x3FB9];
	_ =	sdelay $0x3  }
0x36: {  	p1 =	seq.s32 s10, $0x1;
	s10 =	sld [smem:$0x3FBA];
	_ =	sdelay $0x3  }
0x37: {  	[smem:$0x3FBA] =	sst s10  }
0x38: {  	s10 =	sld [smem:$0x3FBB]  }
0x39: {  	_ = 	snop;
	(pc) =	sbr.ind lr, $3  }
0x3a: {  	_ = 	snop  }
0x3b: {  	_ = 	snop  }
0x3c: {  	p2 =	seq.s32 s10, $0x1;
	s10 =	sld [smem:$0x3FBA]  }
0x3d: {  	_ =	shalt  }
0x3e: {  	_ =	shalt  }
0x3f: {  	_ =	shalt  }
0x40: {  	_ =	shalt  }
0x41: {  	_ =	shalt  }
0x42: {  	_ =	shalt  }
0x43: {  	_ =	shalt  }
0x44: {  	_ =	shalt  }
0x45: {  	_ =	shalt  }
0x46: {  	_ =	shalt  }
0x47: {  	_ =	shalt  }
0x48: {  	_ =	shalt  }
0x49: {  	_ =	shalt  }
0x4a: {  	_ =	shalt  }
0x4b: {  	_ =	shalt  }
0x4c: {  	_ =	shalt  }
0x4d: {  	_ =	shalt  }
0x4e: {  	_ =	shalt  }
0x4f: {  	_ =	shalt  }
0x50: {  	_ =	shalt  }
0x51: {  	_ =	shalt  }
0x52: {  	_ =	shalt  }
0x53: {  	_ =	shalt  }
0x54: {  	_ =	shalt  }
0x55: {  	_ =	shalt  }
0x56: {  	_ =	shalt  }
0x57: {  	_ =	shalt  }
0x58: {  	_ =	shalt  }
0x59: {  	_ =	shalt  }
0x5a: {  	_ =	shalt  }
0x5b: {  	_ =	shalt  }
0x5c: {  	_ =	shalt  }
0x5d: {  	_ =	shalt  }
0x5e: {  	_ =	shalt  }
0x5f: {  	_ =	shalt  }
0x60: {  	_ =	shalt  }
0x61: {  	_ =	shalt  }
0x62: {  	_ =	shalt  }
0x63: {  	_ =	shalt  }
0x64: {  	_ =	shalt  }
0x65: {  	_ =	shalt  }
0x66: {  	_ =	shalt  }
0x67: {  	_ =	shalt  }
0x68: {  	_ =	shalt  }
0x69: {  	_ =	shalt  }
0x6a: {  	_ =	shalt  }
0x6b: {  	_ =	shalt  }
0x6c: {  	_ =	shalt  }
0x6d: {  	_ =	shalt  }
0x6e: {  	_ =	shalt  }
0x6f: {  	_ =	shalt  }
0x70: {  	_ =	shalt  }
0x71: {  	_ =	shalt  }
0x72: {  	_ =	shalt  }
0x73: {  	_ =	shalt  }
0x74: {  	_ =	shalt  }
0x75: {  	_ =	shalt  }
0x76: {  	_ =	shalt  }
0x77: {  	_ =	shalt  }
0x78: {  	_ =	shalt  }
0x79: {  	_ =	shalt  }
0x7a: {  	_ =	shalt  }
0x7b: {  	_ =	shalt  }
0x7c: {  	_ =	shalt  }
0x7d: {  	_ =	shalt  }
0x7e: {  	_ =	shalt  }
0x7f: {  	_ =	shalt  }
0x80: {  	_ =	shalt  }
0x81: {  	_ =	shalt  }
0x82: {  	_ =	shalt  }
0x83: {  	_ =	shalt  }
0x84: {  	_ =	shalt  }
0x85: {  	_ =	shalt  }
0x86: {  	_ =	shalt  }
0x87: {  	_ =	shalt  }
.Lfunc_end0:
.L_simem_size_0:
called_computation_lowered:
.L_overlay_start_0:
0x88: {  	s2 =	sld [smem:$0x3FD9]  }
0x89: {  	s3 =	sld [smem:$0x3FFE];
	_ =	sdelay $0x1  }
0x8a: {  	s1 =	srdreg.scid  }
0x8b: {  	s0 =	sand.u32 $0x1, s1  }
0x8c: {  	s17 =	sshll.u32 s0, $0xA;
	s2 =	sadd.s32 s3, s2  }
0x8d: {  	s2 =	sadd.s32 s2, s17  }
0x8e: {  	[smem:$0x3FC6] =	sst s2  }
0x8f: {  	_ = 	snop  }
0x90: {  	s2 =	sld [smem:$0x3FD0];
	(tm) =	ssettm $0x1  }
0x91: {  	s18 =	sld [smem:$0x3FFB];
	_ =	sdelay $0x3  }
0x92: {  	_ =	strace s18  }
0x93: {  	s3 =	sld [smem:$0x3FFC];
	_ =	sdelay $0x3  }
0x94: {  	_ =	strace s3  }
0x95: {  	s3 =	sld [smem:$0x3FFD];
	_ =	sdelay $0x3  }
0x96: {  	_ =	strace s3  }
0x97: {  	_ =	strace $0x8FFFFFFF  }
0x98: {  	s19 =	sld [smem:$0x3FDB];
	_ =	sdelay $0x1  }
0x99: {  	s4 =	simm.s32 $_scs_section_size  }
0x9a: {  	s5 =	simm.s32 $_size__tile_overlayer_lowered;
	s6 =	simm.s32 $_tile_overlayer_lowered  }
0x9b: {  	s22 =	simm.s32 $0x1BFF;
	s21 =	sshll.u32 s6, $0x1;
	s3 =	sadd.s32 s4, s19  }
0x9c: {  	s7 =	simm.s32 $0x0;
	s20 =	sshll.u32 s5, $0x1;
	s5 =	sadd.s32 s21, s3  }
0x9d: {  	[timem:s7], [sflag:s22] =	dma.local [hbm:s5], s20  }
0x9e: {  	_ =	swait.ge [sflag:s22], s20  }
0x9f: {  	s4 =	ssub.s32 $0x0, s20;
	[sflag:s22] =	ssyncset.done $0x0  }
0xa0: {  	[sflag:s22] =	ssyncadd.s32 s4;
	_ =	sdelay $0x1  }
0xa1: {  	s23 =	simm.s32 $0x1B8B  }
0xa2: {  	_ =	swait.ge [sflag:s23], $0x1  }
0xa3: {  	[sflag:s23] =	ssyncset.done $0x0  }
0xa4: {  	s25 =	simm.s32 $0x1B8E;
	s24 =	sld [smem:$0x3FFE];
	[sflag:s23] =	ssyncadd.s32 $0xFFFFFFFF  }
0xa5: {  	s26 =	simm.s32 $execute0_lowered;
	[smem:$0x3FD2] =	sst s25  }
0xa6: {  	s5 =	sshll.u32 s26, $0x1;
	_ =	strace $0x80000046;
	[dreg:$0x1] =	wrdreg $0xFFFFFFFF  }
0xa7: {  	s28 =	simm.s32 $_size_execute0_lowered;
	s3 =	sadd.s32 s3, s5;
	[dreg:$0x0] =	wrdreg $0x0  }
0xa8: {  	s5 =	sshll.u32 s28, $0x1;
	[dreg:$0x2] =	wrdreg s3  }
0xa9: {  	[dreg:$0x3] =	wrdreg s5  }
0xaa: {  	[dreg:$0x4] =	wrdreg $0xC0  }
0xab: {  	_ =	task [dreg:s7], $0x5FFFF  }
0xac: {  	[dreg:$0x1] =	wrdreg $0xFFFFFFFF  }
0xad: {  	[dreg:$0x0] =	wrdreg $0x60  }
0xae: {  	[dreg:$0x2] =	wrdreg s2  }
0xaf: {  	[dreg:$0x3] =	wrdreg s24  }
0xb0: {  	[dreg:$0x4] =	wrdreg $0x9  }
0xb1: {  	_ =	task.clear_ibuf [dreg:s7], $0x5FFFF;
	_ =	strace $0x90000046  }
0xb2: {  	s29 =	simm.s32 $0x9;
	_ =	strace $0x80000048  }
0xb3: {  	_ =	swait.ge [sflag:s29], $0x1  }
0xb4: {  	[sflag:s29] =	ssyncadd.s32 $0xFFFFFFFF  }
0xb5: {  	_ =	strace $0x90000048  }
0xb6: {  	_ =	sfence  }
0xb7: {  	s30 =	sld [smem:$0x0];
	_ =	sdelay $0x2  }
0xb8: {  	s31 =	sshll.u32 s1, $0xD;
	s1 =	sshrl.u32 s1, $0x2  }
0xb9: {  	s3 =	sand.u32 $0x4000, s31;
	s1 =	sadd.s32 s1, s30  }
0xba: {  	s0 =	sor.u32 s3, s0;
	s1 =	sshll.u32 s1, $0x11  }
0xbb: {  	s0 =	sor.u32 s1, s0  }
0xbc: {  	s0 =	sadd.s32 $0x8F2B, s0  }
0xbd: {  	[sflag:s0] =	ssyncadd.remote.s32 $0x1  }
0xbe: {  	_ =	sfence.sel $0xFFFF  }
0xbf: {  	[dreg:$0x0] =	wrdreg $0xFFFFFFFF;
	(pc) =	sbr.abs _section_cstart, $3  }
0xc0: {  	[dreg:$0x1] =	wrdreg $0xFFFFFFFF  }
0xc1: {  	_ =	task.clear_ibuf [dreg:s7], $0x2FFFF;
	_ =	strace $0x9FFFFFFF  }
0xc2: {  	(tm) =	ssettm $0x7FFFFFFF  }
0xc3: {  	_ =	shalt  }
tec
execute0_lowered:
.L_overlay_start_1:
0x0: {  	(tag) =	ssettag $0x1  }
0x1: {  	s0 =	rddreg [dreg:$0x0]  }
0x2: {  	s1 =	rddreg [dreg:$0x1];
	s2 =	simm.s32 $0x0  }
0x3: {  	s3 =	srdreg.scid;
	s5 =	stileid.u32;
	s8 =	simm.s32 $0x11  }
0x4: {  	s9 =	simm.s32 $0x32;
	s22 =	simm.s32 $0xE800;
	s23 =	simm.s32 $0x380  }
0x5: {  	s24 =	simm.s32 $0x10400;
	s25 =	simm.s32 $0x9;
	s28 =	simm.s32 $0xB  }
0x6: {  	s29 =	simm.s32 $0xC;
	s30 =	simm.s32 $0xD;
	s31 =	simm.s32 $0xE  }
0x7: {  	s10 =	simm.s32 $0x0;
	[smem:$0x7FF] =	sst s2;
	s4 =	sand.u32 $0x1, s3  }
0x8: {  	s5 =	sshll.u32 s5, $0x1;
	s3 =	sadd.s32 $0xF42A00, s1;
	_ =	strace $0x80000047  }
0x9: {  	s6 =	ssub.s32 $0x2, s4;
	s5 =	sor.u32 s4, s5;
	s4 =	sadd.s32 $0x600, s1  }
0xa: {  	s26 =	sshrl.u32 s6, $0x1;
	s7 =	sshll.u32 s5, $0xB;
	s5 =	sshll.u32 s5, $0x7  }
0xb: {  	s1 =	ssub.s32 s6, s26;
	s6 =	sadd.s32 s0, s7;
	s26 =	simm.s32 $0xA  }
0xc: {  	s0 =	simm.s32 $0xF;
	s7 =	smax.u32 s1, $0x1;
	s1 =	simm.s32 $0x10  }
.LBB2_1:
0xd: {  	[tilespmem:s2], [sflag:$0x11] =	stream.linear.gather [hbm4b:s6+s2], $0x4000, $0x38;
	v63 =	vld [tilespmem:$0x0]  }
0xe: {  	_ =	swait.ge [sflag:s8], $0x4000  }
0xf: {  	[sflag:s8] =	ssyncset.done $0x0  }
0x10: {  	s11 =	simm.s32 $0x4000;
	[sflag:s8] =	ssyncadd.s32 $0xFFFFC000  }
0x11: {  	[tilespmem:s11], [sflag:$0x1] =	stream.indirect.gather [hbm4b:s3+s9], $0x80, s2, s9, $0xb8;
	v63 =	vld [tilespmem:$0x0]  }
0x12: {  	s21 =	simm.s32 $0x80;
	s12 =	simm.s32 $0x5C00  }
0x13: {  	[tilespmem:s12], [sflag:$0x2] =	stream.indirect.gather [hbm4b:s3+s9], $0x80, s21, s9, $0xb8;
	v63 =	vld [tilespmem:$0x0]  }
0x14: {  	s13 =	simm.s32 $0x100;
	s14 =	simm.s32 $0x7800  }
0x15: {  	[tilespmem:s14], [sflag:$0x3] =	stream.indirect.gather [hbm4b:s3+s9], $0x80, s13, s9, $0xb8;
	v63 =	vld [tilespmem:$0x0]  }
0x16: {  	s15 =	simm.s32 $0x180;
	s16 =	simm.s32 $0x9400  }
0x17: {  	[tilespmem:s16], [sflag:$0x4] =	stream.indirect.gather [hbm4b:s3+s9], $0x80, s15, s9, $0xb8;
	v63 =	vld [tilespmem:$0x0]  }
0x18: {  	s17 =	simm.s32 $0x200;
	s18 =	simm.s32 $0xB000  }
0x19: {  	[tilespmem:s18], [sflag:$0x5] =	stream.indirect.gather [hbm4b:s3+s9], $0x80, s17, s9, $0xb8;
	v63 =	vld [tilespmem:$0x0]  }
0x1a: {  	s19 =	simm.s32 $0x280;
	s20 =	simm.s32 $0xCC00  }
0x1b: {  	[tilespmem:s20], [sflag:$0x6] =	stream.indirect.gather [hbm4b:s3+s9], $0x80, s19, s9, $0xb8;
	v63 =	vld [tilespmem:$0x0]  }
0x1c: {  	s21 =	simm.s32 $0x300  }
0x1d: {  	[tilespmem:s22], [sflag:$0x7] =	stream.indirect.gather [hbm4b:s3+s9], $0x80, s21, s9, $0xb8;
	v63 =	vld [tilespmem:$0x0]  }
0x1e: {  	s11 =	simm.s32 $0x0;
	s12 =	simm.s32 $0x0  }
0x1f: {  	[tilespmem:s24], [sflag:$0x8] =	stream.indirect.gather [hbm4b:s3+s9], $0x80, s23, s9, $0xb8;
	v63 =	vld [tilespmem:$0x0]  }
.LBB2_2:
0x20: {  	s13 =	sand.u32 $0x7, s12  }
0x21: {  	s14 =	sadd.s32 $0x1, s13  }
0x22: {  	_ =	swait.ge [sflag:s14], $0x1900  }
0x23: {  	s15 =	sand.u32 $0x7, s11;
	p0 =	slt.u32 s12, $0x8;
	[sflag:s14] =	ssyncset.done $0x0  }
0x24: {  	s15 =	smul.u32 $0x7000, s15;
	s16 =	sadd.s32 @!p0 $0x9, s13;
	[sflag:s14] =	ssyncadd.s32 $0xFFFFE700  }
0x25: {  	_ =	swait.ge @!p0 [sflag:s16], $0x1900  }
0x26: {  	s15 =	sshrl.u32 s15, $0x2;
	[sflag:s16] =	ssyncset.done @!p0 $0x0  }
0x27: {  	s18 =	sadd.s32 $0x4120, s15;
	[sflag:s16] =	ssyncadd.s32 @!p0 $0xFFFFE700  }
0x28: {  	v0 =	vld [tilespmem:s18+$0xE0]  }
0x29: {  	v1 =	vld [tilespmem:s18+$0xFFFFFF60];
	_ =	sdelay $0x1  }
0x2a: {  	v2 =	vld [tilespmem:s18+$0xFFFFFFE0]  }
0x2b: {  	v3 =	vld [tilespmem:s18+$0x60]  }
0x2c: {  	v0 =	vmul.f32 $8.000000000e+00, v0  }
0x2d: {  	s15 =	sadd.s32 $0x12120, s15;
	v1 =	vmul.f32 $8.000000000e+00, v1  }
0x2e: {  	v4 =	vld [tilespmem:s18+$0xFFFFFEE0];
	[tilespmem:s15+$0xE0] =	vst v0  }
0x2f: {  	v2 =	vmul.f32 $8.000000000e+00, v2;
	[tilespmem:s15+$0xFFFFFF60] =	vst v1;
	v1 =	vld [tilespmem:s18+$0xF0]  }
0x30: {  	v0 =	vmul.f32 $8.000000000e+00, v3  }
0x31: {  	[tilespmem:s15+$0xFFFFFFE0] =	vst v2;
	v3 =	vld [tilespmem:s18+$0xFFFFFF70]  }
0x32: {  	v2 =	vld [tilespmem:s18+$0xFFFFFFF0];
	[tilespmem:s15+$0x60] =	vst v0  }
0x33: {  	v4 =	vmul.f32 $8.000000000e+00, v4;
	v0 =	vld [tilespmem:s18+$0x70]  }
0x34: {  	v1 =	vmul.f32 $8.000000000e+00, v1  }
0x35: {  	[tilespmem:s15+$0xFFFFFEE0] =	vst v4  }
0x36: {  	v4 =	vld [tilespmem:s18+$0xFFFFFEF0];
	v3 =	vmul.f32 $8.000000000e+00, v3;
	[tilespmem:s15+$0xF0] =	vst v1  }
0x37: {  	s16 =	sadd.s32 $0x280, s18;
	v2 =	vmul.f32 $8.000000000e+00, v2;
	v1 =	vld [tilespmem:s18+$0x100]  }
0x38: {  	v5 =	vld [tilespmem:s16+$0xE0];
	[tilespmem:s15+$0xFFFFFF70] =	vst v3;
	v0 =	vmul.f32 $8.000000000e+00, v0  }
0x39: {  	[tilespmem:s15+$0xFFFFFFF0] =	vst v2;
	v3 =	vld [tilespmem:s18+$0xFFFFFF80]  }
0x3a: {  	v2 =	vld [tilespmem:s18+$0x0];
	[tilespmem:s15+$0x70] =	vst v0  }
0x3b: {  	v4 =	vmul.f32 $8.000000000e+00, v4;
	v0 =	vld [tilespmem:s18+$0x80]  }
0x3c: {  	v6 =	vld [tilespmem:s16+$0xFFFFFF60];
	v1 =	vmul.f32 $8.000000000e+00, v1  }
0x3d: {  	v5 =	vmul.f32 $8.000000000e+00, v5;
	[tilespmem:s15+$0xFFFFFEF0] =	vst v4;
	v4 =	vld [tilespmem:s16+$0xFFFFFFE0]  }
0x3e: {  	s17 =	sadd.s32 $0x280, s15;
	v7 =	vld [tilespmem:s16+$0x60];
	v3 =	vmul.f32 $8.000000000e+00, v3;
	[tilespmem:s15+$0x100] =	vst v1  }
0x3f: {  	[tilespmem:s17+$0xE0] =	vst v5;
	v2 =	vmul.f32 $8.000000000e+00, v2;
	v1 =	vld [tilespmem:s18+$0x110]  }
0x40: {  	[tilespmem:s15+$0xFFFFFF80] =	vst v3;
	v0 =	vmul.f32 $8.000000000e+00, v0;
	v3 =	vld [tilespmem:s16+$0xFFFFFEE0]  }
0x41: {  	[tilespmem:s15+$0x0] =	vst v2;
	v2 =	vmul.f32 $8.000000000e+00, v6;
	v6 =	vld [tilespmem:s18+$0xFFFFFF00]  }
0x42: {  	[tilespmem:s15+$0x80] =	vst v0;
	v0 =	vmul.f32 $8.000000000e+00, v4;
	v4 =	vld [tilespmem:s18+$0xFFFFFF90]  }
0x43: {  	v5 =	vld [tilespmem:s16+$0xF0];
	[tilespmem:s17+$0xFFFFFF60] =	vst v2;
	v2 =	vmul.f32 $8.000000000e+00, v7  }
0x44: {  	v7 =	vld [tilespmem:s16+$0xFFFFFF70];
	[tilespmem:s17+$0xFFFFFFE0] =	vst v0;
	v0 =	vmul.f32 $8.000000000e+00, v1  }
0x45: {  	[tilespmem:s17+$0x60] =	vst v2;
	v1 =	vmul.f32 $8.000000000e+00, v3;
	v3 =	vld [tilespmem:s16+$0xFFFFFFF0]  }
0x46: {  	v2 =	vld [tilespmem:s16+$0x70];
	v6 =	vmul.f32 $8.000000000e+00, v6;
	[tilespmem:s15+$0x110] =	vst v0  }
0x47: {  	[tilespmem:s17+$0xFFFFFEE0] =	vst v1;
	v0 =	vmul.f32 $8.000000000e+00, v4;
	v4 =	vld [tilespmem:s18+$0x10]  }
0x48: {  	[tilespmem:s15+$0xFFFFFF00] =	vst v6;
	v1 =	vmul.f32 $8.000000000e+00, v5;
	v8 =	vld [tilespmem:s16+$0xFFFFFEF0]  }
0x49: {  	v5 =	vmul.f32 $8.000000000e+00, v7;
	v7 =	vld [tilespmem:s18+$0xFFFFFF10];
	[tilespmem:s15+$0xFFFFFF90] =	vst v0  }
0x4a: {  	[tilespmem:s17+$0xF0] =	vst v1;
	v0 =	vld [tilespmem:s18+$0x90];
	v3 =	vmul.f32 $8.000000000e+00, v3  }
0x4b: {  	[tilespmem:s17+$0xFFFFFF70] =	vst v5;
	v5 =	vmul.f32 $8.000000000e+00, v2;
	v2 =	vld [tilespmem:s16+$0x100]  }
0x4c: {  	s18 =	smul.u32 $0x1C00, s13;
	v1 =	vld [tilespmem:s16+$0xFFFFFF80];
	[tilespmem:s17+$0xFFFFFFF0] =	vst v3;
	v9 =	vmul.f32 $8.000000000e+00, v4  }
0x4d: {  	[tilespmem:s17+$0x70] =	vst v5;
	v4 =	vld [tilespmem:s16+$0x0];
	v6 =	vmul.f32 $8.000000000e+00, v8  }
0x4e: {  	s20 =	simm.s32 $0x5;
	s21 =	sadd.s32 $0x280, s16;
	s19 =	sadd.s32 $0x4000, s18;
	v3 =	vld [tilespmem:s16+$0x80];
	v5 =	vmul.f32 $8.000000000e+00, v7;
	[tilespmem:s15+$0x10] =	vst v9  }
.LBB2_3:
0x4f: {  	v7 =	vld [tilespmem:s21+$0xE0];
	s20 =	sadd.s32 $0x5, s20;
	[tilespmem:s17+$0xFFFFFEF0] =	vst v6;
	v0 =	vmul.f32 $8.000000000e+00, v0  }
0x50: {  	v6 =	vld [tilespmem:s21+$0xFFFFFF60];
	p0 =	slt.u32 s20, $0x2D;
	v2 =	vmul.f32 $8.000000000e+00, v2;
	[tilespmem:s15+$0xFFFFFF10] =	vst v5  }
0x51: {  	v5 =	vld [tilespmem:s21+$0xFFFFFFE0];
	v1 =	vmul.f32 $8.000000000e+00, v1;
	[tilespmem:s15+$0x90] =	vst v0;
	s15 =	smov.u32 s17  }
0x52: {  	v0 =	vld [tilespmem:s21+$0x60];
	v4 =	vmul.f32 $8.000000000e+00, v4;
	[tilespmem:s17+$0x100] =	vst v2  }
0x53: {  	[tilespmem:s17+$0xFFFFFF80] =	vst v1;
	v1 =	vmul.f32 $8.000000000e+00, v3;
	v2 =	vld [tilespmem:s16+$0x110]  }
0x54: {  	v3 =	vld [tilespmem:s21+$0xFFFFFEE0];
	v7 =	vmul.f32 $8.000000000e+00, v7;
	[tilespmem:s17+$0x0] =	vst v4  }
0x55: {  	s17 =	sadd.s32 $0x280, s17;
	v4 =	vmul.f32 $8.000000000e+00, v6;
	v6 =	vld [tilespmem:s16+$0xFFFFFF00];
	[tilespmem:s15+$0x80] =	vst v1  }
0x56: {  	v1 =	vmul.f32 $8.000000000e+00, v5;
	[tilespmem:s17+$0xE0] =	vst v7;
	v5 =	vld [tilespmem:s16+$0xFFFFFF90]  }
0x57: {  	[tilespmem:s17+$0xFFFFFF60] =	vst v4;
	v0 =	vmul.f32 $8.000000000e+00, v0;
	v4 =	vld [tilespmem:s21+$0xF0]  }
0x58: {  	v7 =	vld [tilespmem:s21+$0xFFFFFF70];
	[tilespmem:s17+$0xFFFFFFE0] =	vst v1;
	v1 =	vmul.f32 $8.000000000e+00, v2  }
0x59: {  	v2 =	vmul.f32 $8.000000000e+00, v3;
	v3 =	vld [tilespmem:s21+$0xFFFFFFF0];
	[tilespmem:s17+$0x60] =	vst v0  }
0x5a: {  	v8 =	vld [tilespmem:s21+$0x70];
	v0 =	vmul.f32 $8.000000000e+00, v6;
	[tilespmem:s15+$0x110] =	vst v1  }
0x5b: {  	[tilespmem:s17+$0xFFFFFEE0] =	vst v2;
	v1 =	vmul.f32 $8.000000000e+00, v5;
	v5 =	vld [tilespmem:s16+$0x10]  }
0x5c: {  	v6 =	vld [tilespmem:s21+$0xFFFFFEF0];
	v2 =	vmul.f32 $8.000000000e+00, v4;
	[tilespmem:s15+$0xFFFFFF00] =	vst v0  }
0x5d: {  	v4 =	vmul.f32 $8.000000000e+00, v7;
	v7 =	vld [tilespmem:s16+$0xFFFFFF10];
	[tilespmem:s15+$0xFFFFFF90] =	vst v1  }
.Ltmp0:
0x5e: {  	v3 =	vmul.f32 $8.000000000e+00, v3;
	[tilespmem:s17+$0xF0] =	vst v2;
	v0 =	vld [tilespmem:s16+$0x90];
	s16 =	smov.u32 s21;
	(pc) =	sbr.rel @p0 .LBB2_3-.Ltmp0, $4  }
0x5f: {  	[tilespmem:s17+$0xFFFFFF70] =	vst v4;
	v8 =	vmul.f32 $8.000000000e+00, v8;
	v2 =	vld [tilespmem:s21+$0x100]  }
0x60: {  	v1 =	vld [tilespmem:s21+$0xFFFFFF80];
	[tilespmem:s17+$0xFFFFFFF0] =	vst v3;
	v9 =	vmul.f32 $8.000000000e+00, v5  }
0x61: {  	v6 =	vmul.f32 $8.000000000e+00, v6;
	v4 =	vld [tilespmem:s21+$0x0];
	[tilespmem:s17+$0x70] =	vst v8  }
0x62: {  	s21 =	sadd.s32 $0x280, s21;
	v3 =	vld [tilespmem:s16+$0x80];
	v5 =	vmul.f32 $8.000000000e+00, v7;
	[tilespmem:s15+$0x10] =	vst v9  }
0x63: {  	[tilespmem:s17+$0xFFFFFEF0] =	vst v6  }
0x64: {  	v6 =	vld [tilespmem:s16+$0xFFFFFF00]  }
0x65: {  	v2 =	vmul.f32 $8.000000000e+00, v2  }
0x66: {  	v1 =	vmul.f32 $8.000000000e+00, v1  }
0x67: {  	v4 =	vmul.f32 $8.000000000e+00, v4;
	[tilespmem:s17+$0x100] =	vst v2  }
0x68: {  	[tilespmem:s17+$0xFFFFFF80] =	vst v1;
	v55 =	vld [tilespmem:s16+$0x110];
	v3 =	vmul.f32 $8.000000000e+00, v3  }
0x69: {  	[tilespmem:s17+$0x0] =	vst v4;
	v57 =	vld [tilespmem:s16+$0xFFFFFF90];
	v56 =	vmul.f32 $8.000000000e+00, v6  }
0x6a: {  	v58 =	vld [tilespmem:s16+$0x10];
	[tilespmem:s17+$0x80] =	vst v3  }
0x6b: {  	v3 =	vld [tilespmem:s16+$0x90];
	[tilespmem:s17+$0xFFFFFF00] =	vst v56  }
0x6c: {  	v0 =	vmul.f32 $8.000000000e+00, v0;
	v2 =	vld [tilespmem:s16+$0xFFFFFF10]  }
0x6d: {  	[tilespmem:s15+$0xFFFFFF10] =	vst v5;
	v1 =	vmul.f32 $8.000000000e+00, v55  }
0x6e: {  	[tilespmem:s15+$0x90] =	vst v0;
	v59 =	vmul.f32 $8.000000000e+00, v57  }
0x6f: {  	[tilespmem:s17+$0x110] =	vst v1;
	v60 =	vmul.f32 $8.000000000e+00, v58  }
0x70: {  	p0 =	sgt.u32 s12, $0x77;
	[tilespmem:s17+$0xFFFFFF90] =	vst v59;
	v62 =	vmul.f32 $8.000000000e+00, v3  }
0x71: {  	s15 =	sshll.u32 @!p0 s12, $0x7;
	[tilespmem:s17+$0x10] =	vst v60;
	v61 =	vmul.f32 $8.000000000e+00, v2  }
0x72: {  	s21 =	sadd.s32 s5, s12;
	s15 =	sand.u32 @!p0 $0x3FFFFF80, s15;
	[tilespmem:s17+$0x90] =	vst v62  }
0x73: {  	s12 =	sadd.s32 $0x1, s12;
	s15 =	sadd.s32 @!p0 $0x400, s15;
	[tilespmem:s17+$0xFFFFFF10] =	vst v61;
	s17 =	simm.s32 @!p0 $0x32  }
0x74: {  	[tilespmem:s19], [sflag:s14] =	stream.indirect.gather @!p0 [hbm4b:s3+s17], $0x80, s15, s17, $0xb8;
	v63 =	vld [tilespmem:$0x0]  }
0x75: {  	p0 =	sne.s32 s12, $0x80  }
.Ltmp1:
0x76: {  	_ = 	snop;
	(pc) =	sbr.rel @p0 .LBB2_2-.Ltmp1, $4  }
0x77: {  	s16 =	smul.u32 $0x380, s21  }
0x78: {  	s20 =	sadd.s32 $0x12000, s18  }
0x79: {  	s13 =	sadd.s32 $0x9, s13;
	s11 =	sadd.s32 $0x1, s11;
	s21 =	sadd.s32 s4, s16  }
0x7a: {  	[hbm4b:s21+s2] =	stream.linear.scatter [tilespmem:s20], [sflag:s13], $0x1900, $0x38;
	v63 =	vld [tilespmem:$0x0]  }
0x7b: {  	_ =	swait.ge [sflag:s25], $0x1900  }
0x7c: {  	[sflag:s25] =	ssyncset.done $0x0  }
0x7d: {  	[sflag:s25] =	ssyncadd.s32 $0xFFFFE700  }
0x7e: {  	_ =	swait.ge [sflag:s26], $0x1900  }
0x7f: {  	[sflag:s26] =	ssyncset.done $0x0  }
0x80: {  	[sflag:s26] =	ssyncadd.s32 $0xFFFFE700  }
0x81: {  	_ =	swait.ge [sflag:s28], $0x1900  }
0x82: {  	[sflag:s28] =	ssyncset.done $0x0  }
0x83: {  	[sflag:s28] =	ssyncadd.s32 $0xFFFFE700  }
0x84: {  	_ =	swait.ge [sflag:s29], $0x1900  }
0x85: {  	[sflag:s29] =	ssyncset.done $0x0  }
0x86: {  	[sflag:s29] =	ssyncadd.s32 $0xFFFFE700  }
0x87: {  	_ =	swait.ge [sflag:s30], $0x1900  }
0x88: {  	[sflag:s30] =	ssyncset.done $0x0  }
0x89: {  	[sflag:s30] =	ssyncadd.s32 $0xFFFFE700  }
0x8a: {  	_ =	swait.ge [sflag:s31], $0x1900  }
0x8b: {  	[sflag:s31] =	ssyncset.done $0x0  }
0x8c: {  	s10 =	sadd.s32 $0x1, s10;
	[sflag:s31] =	ssyncadd.s32 $0xFFFFE700  }
0x8d: {  	p0 =	sne.s32 s10, s7;
	_ =	swait.ge [sflag:s0], $0x1900  }
.Ltmp2:
0x8e: {  	[sflag:s0] =	ssyncset.done $0x0;
	(pc) =	sbr.rel @p0 .LBB2_1-.Ltmp2, $4  }
0x8f: {  	[sflag:s0] =	ssyncadd.s32 $0xFFFFE700  }
0x90: {  	_ =	swait.ge [sflag:s1], $0x1900  }
0x91: {  	[sflag:s1] =	ssyncset.done $0x0  }
0x92: {  	[sflag:s1] =	ssyncadd.s32 $0xFFFFE700  }
0x93: {  	_ =	sfence.sel $0x180000  }
0x94: {  	[bflag:$0x0] =	sbarrier.arrive $0xFFFF  }
0x95: {  	_ =	strace $0x90000047  }
0x96: {  	s0 =	stileid.u32;
	[bflag:$0x2] =	sbarrier.arrive $0xFFFF  }
0x97: {  	p0 =	sne.s32 s0, $0x0;
	s0 =	rddreg [dreg:$0x2]  }
0x98: {  	s0 =	sadd.s32 @!p0 $0x100000, s0  }
0x99: {  	[sflag:s0] =	ssyncadd.tile.s32 @!p0 $0x1;
	_ =	shalt  }
.Lfunc_end2:
_tile_overlayer_lowered:
.L_overlay_start_2:
0x9a: {  	(tag) =	ssettag $0x2  }
0x9b: {  	s0 =	rddreg [dreg:$0x0];
	s2 =	stileid.u32  }
0x9c: {  	s1 =	rddreg [dreg:$0x1];
	p0 =	sne.s32 s2, $0x0  }
0x9d: {  	s3 =	rddreg [dreg:$0x2];
	[bflag:$0x3] =	sbarrier.arrive $0xFFFF;
	s2 =	simm.s32 @!p0 $0x1C11  }
0x9e: {  	[timem:s3], [sflag:s2] =	dma.local @!p0 [hbm:s0], s1  }
0x9f: {  	s0 =	simm.s32 @!p0 $0x11  }
0xa0: {  	_ =	swait.ge @!p0 [sflag:s0], s1  }
0xa1: {  	s1 =	ssub.s32 @!p0 $0x0, s1;
	[sflag:s0] =	ssyncset.done @!p0 $0x0  }
0xa2: {  	[sflag:s0] =	ssyncadd.s32 @!p0 s1  }
0xa3: {  	[bflag:$0x3] =	sbarrier.arrive $0xFFFF  }
0xa4: {  	_ =	shalt  }

</sc_bundles>
